<compile_context>
chip_gen: v7x
topology: tpu7x:2x2x1
jax: 0.10.2.dev20260603
libtpu: 0.0.44.dev20260713+nightly
codegen_flags: <defaults>
</compile_context>

<pallas_src>
import functools

import jax
import jax.numpy as jnp
from jax import lax
from jax.experimental import pallas as pl
from jax.experimental.pallas import tpu as pltpu
from jax.experimental.pallas import tpu_sc as plsc

N_EMBD = 768
NEURON_DIM = 512
TOP_K = 64
HIDDEN = 256
N_CHUNKS = 100000

BLK = 4096
NBLK = 25
NPAD = NBLK * BLK
NEG = -3.0e38


def _sims_kernel(ct_ref, bt_ref, out_ref):
    i = pl.program_id(0)
    ct = ct_ref[...]
    bt = bt_ref[...]
    d = jax.lax.dot_general(ct, bt, (((1,), (1,)), ((), ())),
                            preferred_element_type=jnp.float32)
    n2 = jnp.sum(ct * ct, axis=1, keepdims=True)
    row = jax.lax.broadcasted_iota(jnp.int32, (BLK, 1), 0) + i * BLK
    out_ref[...] = jnp.where(row < N_CHUNKS, d / (jnp.sqrt(n2) + 1e-8), NEG)


NT = 32
SLICE = NPAD // NT
RPT = SLICE // 128
RSLOT = 32
NROW = NPAD // 128


def _rowmax_body(sims_hbm, gm_hbm, loc, vbuf):
    wid = lax.axis_index("s") * 2 + lax.axis_index("c")
    base = wid * SLICE
    pltpu.sync_copy(sims_hbm.at[pl.ds(base, SLICE)], loc)
    lanes = lax.broadcasted_iota(jnp.int32, (16,), 0)
    accs = [jnp.full((16,), NEG, jnp.float32) for _ in range(2)]
    for r in range(RPT):
        m = loc[r * 128:r * 128 + 16]
        for i in range(1, 8):
            m = jnp.maximum(m, loc[r * 128 + i * 16:r * 128 + (i + 1) * 16])
        hm = plsc.cummax(lax.rev(plsc.cummax(m), (0,)))
        a = r // 16
        accs[a] = jnp.where(lanes == (r % 16), hm, accs[a])
    vbuf[0:16] = accs[0]
    vbuf[16:32] = accs[1]
    pltpu.sync_copy(vbuf, gm_hbm.at[wid])


@functools.cache
def _rowmax_kernel():
    return pl.kernel(
        _rowmax_body,
        out_type=jax.ShapeDtypeStruct((NT, RSLOT), jnp.float32),
        mesh=plsc.VectorSubcoreMesh(core_axis_name="c", subcore_axis_name="s"),
        compiler_params=pltpu.CompilerParams(needs_layout_passes=False),
        scratch_types=[
            pltpu.VMEM((SLICE,), jnp.float32),
            pltpu.VMEM((RSLOT,), jnp.float32),
        ],
    )


BIGI = 2 ** 24


def _mkey(v):
    u = jax.lax.bitcast_convert_type(v, jnp.int32)
    return jnp.where(u >= 0, u, u ^ jnp.int32(0x7FFFFFFF))


def _kth_key(keys, k):
    n0 = jnp.sum((keys >= 0).astype(jnp.int32))
    base0 = jnp.where(n0 >= k, jnp.int32(0), jnp.int32(-2147483648))

    def bit_body(i, base):
        cand = base | jnp.left_shift(jnp.int32(1), 30 - i)
        c = jnp.sum((keys >= cand).astype(jnp.int32))
        return jnp.where(c >= k, cand, base)

    return jax.lax.fori_loop(0, 31, bit_body, base0)


def _select_kernel(gm_ref, sims_hbm, emb_hbm, ctr_hbm, be_ref, btr_ref,
                   w1_ref, b1_ref, w2_ref, b2_ref,
                   score_out, idx_out, cands, emb_s, tr_s, sem_r, sem_e, sem_t):
    lane = jax.lax.broadcasted_iota(jnp.int32, (1, 128), 1)

    k1 = _mkey(gm_ref[...])
    t1 = _kth_key(k1, TOP_K)
    fr8 = jax.lax.broadcasted_iota(jnp.int32, (8, 128), 0)
    fc8 = jax.lax.broadcasted_iota(jnp.int32, (8, 128), 1)
    flat8 = fr8 * 128 + fc8
    prio1 = jnp.where(k1 > t1, flat8,
                      jnp.where(k1 == t1, flat8 + 4096, BIGI))

    def rbody(k, carry):
        pr, rrows = carry
        p = jnp.min(pr)
        r = p & 4095
        row = (r >> 5) * RPT + (r & 31)
        pltpu.make_async_copy(sims_hbm.at[row], cands.at[k], sem_r).start()
        rrows = jnp.where(lane == k, row, rrows)
        pr = jnp.where(pr == p, BIGI, pr)
        return pr, rrows

    rr0 = jnp.zeros((1, 128), jnp.int32)
    _, rrows = jax.lax.fori_loop(0, TOP_K, rbody, (prio1, rr0))
    base_mat = jnp.transpose(rrows)[0:TOP_K, :] * 128

    def rwait(k, c):
        pltpu.make_async_copy(sims_hbm.at[0], cands.at[0], sem_r).wait()
        return c
    jax.lax.fori_loop(0, TOP_K, rwait, 0)

    cid_mat = base_mat + jax.lax.broadcasted_iota(jnp.int32, (TOP_K, 128), 1)
    k2 = _mkey(cands[...])
    t2 = _kth_key(k2, TOP_K)
    prio2 = jnp.where(k2 > t2, cid_mat,
                      jnp.where(k2 == t2, cid_mat + jnp.int32(2 ** 18), BIGI))

    def body(k, carry):
        pr, ids = carry
        p = jnp.min(pr)
        cid = p & jnp.int32(2 ** 18 - 1)
        pltpu.make_async_copy(emb_hbm.at[cid], emb_s.at[k], sem_e).start()
        pltpu.make_async_copy(ctr_hbm.at[cid], tr_s.at[k], sem_t).start()
        ids = jnp.where(lane == k, cid, ids)
        pr = jnp.where(pr == p, BIGI, pr)
        return pr, ids

    ids0 = jnp.zeros((1, 128), jnp.int32)
    _, ids = jax.lax.fori_loop(0, TOP_K, body, (prio2, ids0))

    def wbody(k, c):
        pltpu.make_async_copy(emb_hbm.at[0], emb_s.at[0], sem_e).wait()
        pltpu.make_async_copy(ctr_hbm.at[0], tr_s.at[0], sem_t).wait()
        return c
    jax.lax.fori_loop(0, TOP_K, wbody, 0)

    e = emb_s[...]
    t = tr_s[...]
    w1a = w1_ref[0:N_EMBD, :]
    w1b = w1_ref[N_EMBD:2 * N_EMBD, :]
    w1c = w1_ref[2 * N_EMBD:2 * N_EMBD + NEURON_DIM, :]
    w1d = w1_ref[2 * N_EMBD + NEURON_DIM:, :]
    cvec = (jnp.dot(be_ref[...], w1b, preferred_element_type=jnp.float32)
            + jnp.dot(btr_ref[...], w1d, preferred_element_type=jnp.float32)
            + b1_ref[...])
    h = jnp.maximum(
        jnp.dot(e, w1a, preferred_element_type=jnp.float32)
        + jnp.dot(t, w1c, preferred_element_type=jnp.float32) + cvec, 0.0)
    scores = jnp.dot(h, w2_ref[...], preferred_element_type=jnp.float32) \
        + b2_ref[...]
    best = jnp.max(scores)
    r64 = jax.lax.broadcasted_iota(jnp.int32, (TOP_K, 1), 0)
    r = jnp.min(jnp.where(scores >= best, r64, jnp.int32(TOP_K)))
    cid = jnp.max(jnp.where(lane == r, ids, jnp.int32(-1)))
    score_out[0, 0] = best
    idx_out[0, 0] = cid


def kernel(backstory_embedding, backstory_trace, chunk_embeddings,
           chunk_traces, W1, b1, W2, b2):
    sims = pl.pallas_call(
        _sims_kernel,
        grid=(NBLK,),
        in_specs=[
            pl.BlockSpec((BLK, NEURON_DIM), lambda i: (i, 0)),
            pl.BlockSpec((1, NEURON_DIM), lambda i: (0, 0)),
        ],
        out_specs=pl.BlockSpec((BLK, 1), lambda i: (i, 0)),
        out_shape=jax.ShapeDtypeStruct((NPAD, 1), jnp.float32),
    )(chunk_traces, backstory_trace.reshape(1, NEURON_DIM))

    gm = _rowmax_kernel()(sims.reshape(NPAD))

    score, idx = pl.pallas_call(
        _select_kernel,
        in_specs=[
            pl.BlockSpec((NT * RSLOT // 128, 128), lambda: (0, 0)),
            pl.BlockSpec(memory_space=pl.ANY),

            pl.BlockSpec(memory_space=pl.ANY),
            pl.BlockSpec(memory_space=pl.ANY),
            pl.BlockSpec((1, N_EMBD), lambda: (0, 0)),
            pl.BlockSpec((1, NEURON_DIM), lambda: (0, 0)),
            pl.BlockSpec((2 * N_EMBD + 2 * NEURON_DIM, HIDDEN), lambda: (0, 0)),
            pl.BlockSpec((1, HIDDEN), lambda: (0, 0)),
            pl.BlockSpec((HIDDEN, 1), lambda: (0, 0)),
            pl.BlockSpec((1, 1), lambda: (0, 0)),
        ],
        out_specs=[
            pl.BlockSpec(memory_space=pltpu.SMEM),
            pl.BlockSpec(memory_space=pltpu.SMEM),
        ],
        out_shape=[
            jax.ShapeDtypeStruct((1, 1), jnp.float32),
            jax.ShapeDtypeStruct((1, 1), jnp.int32),
        ],
        scratch_shapes=[
            pltpu.VMEM((TOP_K, 128), jnp.float32),
            pltpu.VMEM((TOP_K, N_EMBD), jnp.float32),
            pltpu.VMEM((TOP_K, NEURON_DIM), jnp.float32),
            pltpu.SemaphoreType.DMA,
            pltpu.SemaphoreType.DMA,
            pltpu.SemaphoreType.DMA,
        ],
    )(gm.reshape(NT * RSLOT // 128, 128), sims.reshape(NROW, 128),
      chunk_embeddings, chunk_traces,
      backstory_embedding.reshape(1, N_EMBD),
      backstory_trace.reshape(1, NEURON_DIM),
      W1, b1.reshape(1, HIDDEN), W2, b2.reshape(1, 1))

    return score.reshape(()), idx.reshape(())

# --- scband reference (transcript-rebuilt; emitter-appended) ---
"""Pipeline reference for scband-fast-nlimodel-4664334483935 (READ-ONLY COPY).

The authoritative reference and input builder live on the scoring server;
editing this copy changes nothing except your own understanding.
"""

import jax, jax.numpy as jnp
import numpy as np

N_EMBD = 768
NEURON_DIM = 512
TOP_K = 64
HIDDEN = 256
N_CHUNKS = 100000


def setup_inputs(seed: int = 0) -> dict:
    key = jax.random.key(seed)
    ks = jax.random.split(key, 6)
    backstory_embedding = jax.random.normal(ks[0], (N_EMBD,), dtype=jnp.float32)
    backstory_trace = jax.random.uniform(ks[1], (NEURON_DIM,), dtype=jnp.float32)
    chunk_embeddings = jax.random.normal(ks[2], (N_CHUNKS, N_EMBD), dtype=jnp.float32)
    chunk_traces = jax.random.uniform(ks[3], (N_CHUNKS, NEURON_DIM), dtype=jnp.float32)
    in_dim = 2 * N_EMBD + 2 * NEURON_DIM
    W1 = jax.random.normal(ks[4], (in_dim, HIDDEN), dtype=jnp.float32) * (1.0 / np.sqrt(in_dim))
    b1 = jnp.zeros((HIDDEN,), dtype=jnp.float32)
    W2 = jax.random.normal(ks[5], (HIDDEN, 1), dtype=jnp.float32) * (1.0 / np.sqrt(HIDDEN))
    b2 = jnp.zeros((1,), dtype=jnp.float32)
    return {
        "backstory_embedding": backstory_embedding,
        "backstory_trace": backstory_trace,
        "chunk_embeddings": chunk_embeddings,
        "chunk_traces": chunk_traces,
        "W1": W1,
        "b1": b1,
        "W2": W2,
        "b2": b2,
    }


def reference(backstory_embedding, backstory_trace, chunk_embeddings, chunk_traces, W1, b1, W2, b2):
    # SparseNeuronRetriever: cosine similarity between backstory trace and all chunk traces, top-k
    bt_n = backstory_trace / (jnp.linalg.norm(backstory_trace) + 1e-8)
    ct_n = chunk_traces / (jnp.linalg.norm(chunk_traces, axis=1, keepdims=True) + 1e-8)
    sims = ct_n @ bt_n  # [N_CHUNKS]
    _top_vals, retrieved_indices = jax.lax.top_k(sims, TOP_K)
    # LightweightVerifier applied to each retrieved chunk (vectorized over the top-k loop)
    sel_emb = jnp.take(chunk_embeddings, retrieved_indices, axis=0)  # [K, n_embd]
    sel_tr = jnp.take(chunk_traces, retrieved_indices, axis=0)       # [K, neuron_dim]
    be = jnp.broadcast_to(backstory_embedding[None, :], (TOP_K, N_EMBD))
    btr = jnp.broadcast_to(backstory_trace[None, :], (TOP_K, NEURON_DIM))
    feats = jnp.concatenate([sel_emb, be, sel_tr, btr], axis=1)
    h = jax.nn.relu(feats @ W1 + b1)
    chunk_scores = (h @ W2 + b2).squeeze(-1)  # [K]
    # MILAggregator (max): final score is max over retrieved chunk scores
    best_local = jnp.argmax(chunk_scores)
    final_score = chunk_scores[best_local]
    best_chunk_idx = retrieved_indices[best_local]
    return final_score, best_chunk_idx

if __name__ == "__main__":
    import jax
    _d = setup_inputs()
    print(jax.jit(kernel)(*tuple(_d.values())))

</pallas_src>

<mosaic_0001>
#map = affine_map<(d0, d1) -> (0)>
#map1 = affine_map<(d0, d1) -> (0, 0)>
module attributes {stable_mosaic.version = 14 : i64} {
  func.func @_rowmax_body(%arg0: i32, %arg1: i32, %arg2: memref<102400xf32, #tpu.memory_space<hbm>>, %arg3: memref<32x32xf32, #tpu.memory_space<hbm>>, %arg4: memref<3200xf32, #tpu.memory_space<vmem>>, %arg5: memref<32xf32, #tpu.memory_space<vmem>>) attributes {dimension_semantics = [#tpu.dimension_semantics<core_parallel>, #tpu.dimension_semantics<subcore_parallel>], iteration_bounds = array<i64: 2, 16>, scalar_prefetch = 0 : i64, scratch_operands = 2 : i64, tpu.core_type = #tpu.core_type<sc_vector_subcore>, window_params = [{transform_indices = #map}, {transform_indices = #map1}]} {
    %mul3A = arith.constant 2 : i32
    %mul3A_0 = arith.muli %arg1, %mul3A : i32
    %add3A = arith.addi %mul3A_0, %arg0 : i32
    %mul3A_1 = arith.constant 3200 : i32
    %mul3A_2 = arith.muli %add3A, %mul3A_1 : i32
    "tpu.region"() ({
      %run_scoped3A = tpu.sem_alloc : memref<!tpu.dma_semaphore, #tpu.memory_space<semaphore_mem>>
      %dma_start3A = tpu.memref_slice %arg2[%mul3A_2] : memref<102400xf32, #tpu.memory_space<hbm>> -> memref<3200xf32, #tpu.memory_space<hbm>>
      %dma_start3A_953 = tpu.memref_slice %arg2[%mul3A_2] : memref<102400xf32, #tpu.memory_space<hbm>> -> memref<3200xf32, #tpu.memory_space<hbm>>
      tpu.enqueue_dma source(%dma_start3A_953 : memref<3200xf32, #tpu.memory_space<hbm>>) target(%arg4 : memref<3200xf32, #tpu.memory_space<vmem>>) target_semaphore(%run_scoped3A : memref<!tpu.dma_semaphore, #tpu.memory_space<semaphore_mem>>)
      %dma_wait3A = tpu.memref_slice %arg2[%mul3A_2] : memref<102400xf32, #tpu.memory_space<hbm>> -> memref<3200xf32, #tpu.memory_space<hbm>>
      %dma_wait3A_954 = tpu.memref_slice %arg2[%mul3A_2] : memref<102400xf32, #tpu.memory_space<hbm>> -> memref<3200xf32, #tpu.memory_space<hbm>>
      tpu.wait_dma2 semaphore(%run_scoped3A : memref<!tpu.dma_semaphore, #tpu.memory_space<semaphore_mem>>) src(%dma_wait3A_954 : memref<3200xf32, #tpu.memory_space<hbm>>) dst(%arg4 : memref<3200xf32, #tpu.memory_space<vmem>>)
      tpu.yield
    }) : () -> ()
    %iota3A = tpu.iota {dimensions = array<i32: 0>} : vector<16xi32>
    %broadcast_in_dim3A = arith.constant -3.000000e+38 : f32
    %broadcast_in_dim3A_3 = vector.broadcast %broadcast_in_dim3A : f32 to vector<16xf32>
    %broadcast_in_dim3A_4 = arith.constant -3.000000e+38 : f32
    %broadcast_in_dim3A_5 = vector.broadcast %broadcast_in_dim3A_4 : f32 to vector<16xf32>
    %get3A = arith.constant 0 : index
    %get3A_6 = tpu.vector_load %arg4[%get3A] {strides = array<i32>} : memref<3200xf32, #tpu.memory_space<vmem>>, vector<16xf32>,
    %get3A_7 = arith.constant 16 : index
    %get3A_8 = tpu.vector_load %arg4[%get3A_7] {strides = array<i32>} : memref<3200xf32, #tpu.memory_space<vmem>>, vector<16xf32>,
    %max3A = arith.maximumf %get3A_6, %get3A_8 : vector<16xf32>
    %get3A_9 = arith.constant 32 : index
    %get3A_10 = tpu.vector_load %arg4[%get3A_9] {strides = array<i32>} : memref<3200xf32, #tpu.memory_space<vmem>>, vector<16xf32>,
    %max3A_11 = arith.maximumf %max3A, %get3A_10 : vector<16xf32>
    %get3A_12 = arith.constant 48 : index
    %get3A_13 = tpu.vector_load %arg4[%get3A_12] {strides = array<i32>} : memref<3200xf32, #tpu.memory_space<vmem>>, vector<16xf32>,
    %max3A_14 = arith.maximumf %max3A_11, %get3A_13 : vector<16xf32>
    %get3A_15 = arith.constant 64 : index
    %get3A_16 = tpu.vector_load %arg4[%get3A_15] {strides = array<i32>} : memref<3200xf32, #tpu.memory_space<vmem>>, vector<16xf32>,
    %max3A_17 = arith.maximumf %max3A_14, %get3A_16 : vector<16xf32>
    %get3A_18 = arith.constant 80 : index
    %get3A_19 = tpu.vector_load %arg4[%get3A_18] {strides = array<i32>} : memref<3200xf32, #tpu.memory_space<vmem>>, vector<16xf32>,
    %max3A_20 = arith.maximumf %max3A_17, %get3A_19 : vector<16xf32>
    %get3A_21 = arith.constant 96 : index
    %get3A_22 = tpu.vector_load %arg4[%get3A_21] {strides = array<i32>} : memref<3200xf32, #tpu.memory_space<vmem>>, vector<16xf32>,
    %max3A_23 = arith.maximumf %max3A_20, %get3A_22 : vector<16xf32>
    %get3A_24 = arith.constant 112 : index
    %get3A_25 = tpu.vector_load %arg4[%get3A_24] {strides = array<i32>} : memref<3200xf32, #tpu.memory_space<vmem>>, vector<16xf32>,
    %max3A_26 = arith.maximumf %max3A_23, %get3A_25 : vector<16xf32>
    %broadcast_in_dim3A_27 = arith.constant true
    %broadcast_in_dim3A_28 = vector.broadcast %broadcast_in_dim3A_27 : i1 to vector<16xi1>
    %masked_cummax3A = tpu.scan <max>, %max3A_26 masked %broadcast_in_dim3A_28 : vector<16xf32>, vector<16xi1> -> vector<16xf32>
    %rev3A = arith.constant 15 : i32
    %rev3A_29 = vector.broadcast %rev3A : i32 to vector<16xi32>
    %rev3A_30 = tpu.iota {dimensions = array<i32: 0>} : vector<16xi32>
    %rev3A_31 = arith.subi %rev3A_29, %rev3A_30 : vector<16xi32>
    %rev3A_32 = tpu.dynamic_gather %masked_cummax3A[%rev3A_31] in [0] : vector<16xf32>, vector<16xi32> -> vector<16xf32>
    %broadcast_in_dim3A_33 = arith.constant true
    %broadcast_in_dim3A_34 = vector.broadcast %broadcast_in_dim3A_33 : i1 to vector<16xi1>
    %masked_cummax3A_35 = tpu.scan <max>, %rev3A_32 masked %broadcast_in_dim3A_34 : vector<16xf32>, vector<16xi1> -> vector<16xf32>
    %eq3A = arith.constant 0 : i32
    %eq3A_36 = vector.broadcast %eq3A : i32 to vector<16xi32>
    %eq3A_37 = arith.cmpi eq, %iota3A, %eq3A_36 : vector<16xi32>
    %select_n3A = arith.select %eq3A_37, %masked_cummax3A_35, %broadcast_in_dim3A_3 : vector<16xi1>, vector<16xf32>
    %get3A_38 = arith.constant 128 : index
    %get3A_39 = tpu.vector_load %arg4[%get3A_38] {strides = array<i32>} : memref<3200xf32, #tpu.memory_space<vmem>>, vector<16xf32>,
    %get3A_40 = arith.constant 144 : index
    %get3A_41 = tpu.vector_load %arg4[%get3A_40] {strides = array<i32>} : memref<3200xf32, #tpu.memory_space<vmem>>, vector<16xf32>,
    %max3A_42 = arith.maximumf %get3A_39, %get3A_41 : vector<16xf32>
    %get3A_43 = arith.constant 160 : index
    %get3A_44 = tpu.vector_load %arg4[%get3A_43] {strides = array<i32>} : memref<3200xf32, #tpu.memory_space<vmem>>, vector<16xf32>,
    %max3A_45 = arith.maximumf %max3A_42, %get3A_44 : vector<16xf32>
    %get3A_46 = arith.constant 176 : index
    %get3A_47 = tpu.vector_load %arg4[%get3A_46] {strides = array<i32>} : memref<3200xf32, #tpu.memory_space<vmem>>, vector<16xf32>,
    %max3A_48 = arith.maximumf %max3A_45, %get3A_47 : vector<16xf32>
    %get3A_49 = arith.constant 192 : index
    %get3A_50 = tpu.vector_load %arg4[%get3A_49] {strides = array<i32>} : memref<3200xf32, #tpu.memory_space<vmem>>, vector<16xf32>,
    %max3A_51 = arith.maximumf %max3A_48, %get3A_50 : vector<16xf32>
    %get3A_52 = arith.constant 208 : index
    %get3A_53 = tpu.vector_load %arg4[%get3A_52] {strides = array<i32>} : memref<3200xf32, #tpu.memory_space<vmem>>, vector<16xf32>,
    %max3A_54 = arith.maximumf %max3A_51, %get3A_53 : vector<16xf32>
    %get3A_55 = arith.constant 224 : index
    %get3A_56 = tpu.vector_load %arg4[%get3A_55] {strides = array<i32>} : memref<3200xf32, #tpu.memory_space<vmem>>, vector<16xf32>,
    %max3A_57 = arith.maximumf %max3A_54, %get3A_56 : vector<16xf32>
    %get3A_58 = arith.constant 240 : index
    %get3A_59 = tpu.vector_load %arg4[%get3A_58] {strides = array<i32>} : memref<3200xf32, #tpu.memory_space<vmem>>, vector<16xf32>,
    %max3A_60 = arith.maximumf %max3A_57, %get3A_59 : vector<16xf32>
    %broadcast_in_dim3A_61 = arith.constant true
    %broadcast_in_dim3A_62 = vector.broadcast %broadcast_in_dim3A_61 : i1 to vector<16xi1>
    %masked_cummax3A_63 = tpu.scan <max>, %max3A_60 masked %broadcast_in_dim3A_62 : vector<16xf32>, vector<16xi1> -> vector<16xf32>
    %rev3A_64 = arith.constant 15 : i32
    %rev3A_65 = vector.broadcast %rev3A_64 : i32 to vector<16xi32>
    %rev3A_66 = tpu.iota {dimensions = array<i32: 0>} : vector<16xi32>
    %rev3A_67 = arith.subi %rev3A_65, %rev3A_66 : vector<16xi32>
    %rev3A_68 = tpu.dynamic_gather %masked_cummax3A_63[%rev3A_67] in [0] : vector<16xf32>, vector<16xi32> -> vector<16xf32>
    %broadcast_in_dim3A_69 = arith.constant true
    %broadcast_in_dim3A_70 = vector.broadcast %broadcast_in_dim3A_69 : i1 to vector<16xi1>
    %masked_cummax3A_71 = tpu.scan <max>, %rev3A_68 masked %broadcast_in_dim3A_70 : vector<16xf32>, vector<16xi1> -> vector<16xf32>
    %eq3A_72 = arith.constant 1 : i32
    %eq3A_73 = vector.broadcast %eq3A_72 : i32 to vector<16xi32>
    %eq3A_74 = arith.cmpi eq, %iota3A, %eq3A_73 : vector<16xi32>
    %select_n3A_75 = arith.select %eq3A_74, %masked_cummax3A_71, %select_n3A : vector<16xi1>, vector<16xf32>
    %get3A_76 = arith.constant 256 : index
    %get3A_77 = tpu.vector_load %arg4[%get3A_76] {strides = array<i32>} : memref<3200xf32, #tpu.memory_space<vmem>>, vector<16xf32>,
    %get3A_78 = arith.constant 272 : index
    %get3A_79 = tpu.vector_load %arg4[%get3A_78] {strides = array<i32>} : memref<3200xf32, #tpu.memory_space<vmem>>, vector<16xf32>,
    %max3A_80 = arith.maximumf %get3A_77, %get3A_79 : vector<16xf32>
    %get3A_81 = arith.constant 288 : index
    %get3A_82 = tpu.vector_load %arg4[%get3A_81] {strides = array<i32>} : memref<3200xf32, #tpu.memory_space<vmem>>, vector<16xf32>,
    %max3A_83 = arith.maximumf %max3A_80, %get3A_82 : vector<16xf32>
    %get3A_84 = arith.constant 304 : index
    %get3A_85 = tpu.vector_load %arg4[%get3A_84] {strides = array<i32>} : memref<3200xf32, #tpu.memory_space<vmem>>, vector<16xf32>,
    %max3A_86 = arith.maximumf %max3A_83, %get3A_85 : vector<16xf32>
    %get3A_87 = arith.constant 320 : index
    %get3A_88 = tpu.vector_load %arg4[%get3A_87] {strides = array<i32>} : memref<3200xf32, #tpu.memory_space<vmem>>, vector<16xf32>,
    %max3A_89 = arith.maximumf %max3A_86, %get3A_88 : vector<16xf32>
    %get3A_90 = arith.constant 336 : index
    %get3A_91 = tpu.vector_load %arg4[%get3A_90] {strides = array<i32>} : memref<3200xf32, #tpu.memory_space<vmem>>, vector<16xf32>,
    %max3A_92 = arith.maximumf %max3A_89, %get3A_91 : vector<16xf32>
    %get3A_93 = arith.constant 352 : index
    %get3A_94 = tpu.vector_load %arg4[%get3A_93] {strides = array<i32>} : memref<3200xf32, #tpu.memory_space<vmem>>, vector<16xf32>,
    %max3A_95 = arith.maximumf %max3A_92, %get3A_94 : vector<16xf32>
    %get3A_96 = arith.constant 368 : index
    %get3A_97 = tpu.vector_load %arg4[%get3A_96] {strides = array<i32>} : memref<3200xf32, #tpu.memory_space<vmem>>, vector<16xf32>,
    %max3A_98 = arith.maximumf %max3A_95, %get3A_97 : vector<16xf32>
    %broadcast_in_dim3A_99 = arith.constant true
    %broadcast_in_dim3A_100 = vector.broadcast %broadcast_in_dim3A_99 : i1 to vector<16xi1>
    %masked_cummax3A_101 = tpu.scan <max>, %max3A_98 masked %broadcast_in_dim3A_100 : vector<16xf32>, vector<16xi1> -> vector<16xf32>
    %rev3A_102 = arith.constant 15 : i32
    %rev3A_103 = vector.broadcast %rev3A_102 : i32 to vector<16xi32>
    %rev3A_104 = tpu.iota {dimensions = array<i32: 0>} : vector<16xi32>
    %rev3A_105 = arith.subi %rev3A_103, %rev3A_104 : vector<16xi32>
    %rev3A_106 = tpu.dynamic_gather %masked_cummax3A_101[%rev3A_105] in [0] : vector<16xf32>, vector<16xi32> -> vector<16xf32>
    %broadcast_in_dim3A_107 = arith.constant true
    %broadcast_in_dim3A_108 = vector.broadcast %broadcast_in_dim3A_107 : i1 to vector<16xi1>
    %masked_cummax3A_109 = tpu.scan <max>, %rev3A_106 masked %broadcast_in_dim3A_108 : vector<16xf32>, vector<16xi1> -> vector<16xf32>
    %eq3A_110 = arith.constant 2 : i32
    %eq3A_111 = vector.broadcast %eq3A_110 : i32 to vector<16xi32>
    %eq3A_112 = arith.cmpi eq, %iota3A, %eq3A_111 : vector<16xi32>
    %select_n3A_113 = arith.select %eq3A_112, %masked_cummax3A_109, %select_n3A_75 : vector<16xi1>, vector<16xf32>
    %get3A_114 = arith.constant 384 : index
    %get3A_115 = tpu.vector_load %arg4[%get3A_114] {strides = array<i32>} : memref<3200xf32, #tpu.memory_space<vmem>>, vector<16xf32>,
    %get3A_116 = arith.constant 400 : index
    %get3A_117 = tpu.vector_load %arg4[%get3A_116] {strides = array<i32>} : memref<3200xf32, #tpu.memory_space<vmem>>, vector<16xf32>,
    %max3A_118 = arith.maximumf %get3A_115, %get3A_117 : vector<16xf32>
    %get3A_119 = arith.constant 416 : index
    %get3A_120 = tpu.vector_load %arg4[%get3A_119] {strides = array<i32>} : memref<3200xf32, #tpu.memory_space<vmem>>, vector<16xf32>,
    %max3A_121 = arith.maximumf %max3A_118, %get3A_120 : vector<16xf32>
    %get3A_122 = arith.constant 432 : index
    %get3A_123 = tpu.vector_load %arg4[%get3A_122] {strides = array<i32>} : memref<3200xf32, #tpu.memory_space<vmem>>, vector<16xf32>,
    %max3A_124 = arith.maximumf %max3A_121, %get3A_123 : vector<16xf32>
    %get3A_125 = arith.constant 448 : index
    %get3A_126 = tpu.vector_load %arg4[%get3A_125] {strides = array<i32>} : memref<3200xf32, #tpu.memory_space<vmem>>, vector<16xf32>,
    %max3A_127 = arith.maximumf %max3A_124, %get3A_126 : vector<16xf32>
    %get3A_128 = arith.constant 464 : index
    %get3A_129 = tpu.vector_load %arg4[%get3A_128] {strides = array<i32>} : memref<3200xf32, #tpu.memory_space<vmem>>, vector<16xf32>,
    %max3A_130 = arith.maximumf %max3A_127, %get3A_129 : vector<16xf32>
    %get3A_131 = arith.constant 480 : index
    %get3A_132 = tpu.vector_load %arg4[%get3A_131] {strides = array<i32>} : memref<3200xf32, #tpu.memory_space<vmem>>, vector<16xf32>,
    %max3A_133 = arith.maximumf %max3A_130, %get3A_132 : vector<16xf32>
    %get3A_134 = arith.constant 496 : index
    %get3A_135 = tpu.vector_load %arg4[%get3A_134] {strides = array<i32>} : memref<3200xf32, #tpu.memory_space<vmem>>, vector<16xf32>,
    %max3A_136 = arith.maximumf %max3A_133, %get3A_135 : vector<16xf32>
    %broadcast_in_dim3A_137 = arith.constant true
    %broadcast_in_dim3A_138 = vector.broadcast %broadcast_in_dim3A_137 : i1 to vector<16xi1>
    %masked_cummax3A_139 = tpu.scan <max>, %max3A_136 masked %broadcast_in_dim3A_138 : vector<16xf32>, vector<16xi1> -> vector<16xf32>
    %rev3A_140 = arith.constant 15 : i32
    %rev3A_141 = vector.broadcast %rev3A_140 : i32 to vector<16xi32>
    %rev3A_142 = tpu.iota {dimensions = array<i32: 0>} : vector<16xi32>
    %rev3A_143 = arith.subi %rev3A_141, %rev3A_142 : vector<16xi32>
    %rev3A_144 = tpu.dynamic_gather %masked_cummax3A_139[%rev3A_143] in [0] : vector<16xf32>, vector<16xi32> -> vector<16xf32>
    %broadcast_in_dim3A_145 = arith.constant true
    %broadcast_in_dim3A_146 = vector.broadcast %broadcast_in_dim3A_145 : i1 to vector<16xi1>
    %masked_cummax3A_147 = tpu.scan <max>, %rev3A_144 masked %broadcast_in_dim3A_146 : vector<16xf32>, vector<16xi1> -> vector<16xf32>
    %eq3A_148 = arith.constant 3 : i32
    %eq3A_149 = vector.broadcast %eq3A_148 : i32 to vector<16xi32>
    %eq3A_150 = arith.cmpi eq, %iota3A, %eq3A_149 : vector<16xi32>
    %select_n3A_151 = arith.select %eq3A_150, %masked_cummax3A_147, %select_n3A_113 : vector<16xi1>, vector<16xf32>
    %get3A_152 = arith.constant 512 : index
    %get3A_153 = tpu.vector_load %arg4[%get3A_152] {strides = array<i32>} : memref<3200xf32, #tpu.memory_space<vmem>>, vector<16xf32>,
    %get3A_154 = arith.constant 528 : index
    %get3A_155 = tpu.vector_load %arg4[%get3A_154] {strides = array<i32>} : memref<3200xf32, #tpu.memory_space<vmem>>, vector<16xf32>,
    %max3A_156 = arith.maximumf %get3A_153, %get3A_155 : vector<16xf32>
    %get3A_157 = arith.constant 544 : index
    %get3A_158 = tpu.vector_load %arg4[%get3A_157] {strides = array<i32>} : memref<3200xf32, #tpu.memory_space<vmem>>, vector<16xf32>,
    %max3A_159 = arith.maximumf %max3A_156, %get3A_158 : vector<16xf32>
    %get3A_160 = arith.constant 560 : index
    %get3A_161 = tpu.vector_load %arg4[%get3A_160] {strides = array<i32>} : memref<3200xf32, #tpu.memory_space<vmem>>, vector<16xf32>,
    %max3A_162 = arith.maximumf %max3A_159, %get3A_161 : vector<16xf32>
    %get3A_163 = arith.constant 576 : index
    %get3A_164 = tpu.vector_load %arg4[%get3A_163] {strides = array<i32>} : memref<3200xf32, #tpu.memory_space<vmem>>, vector<16xf32>,
    %max3A_165 = arith.maximumf %max3A_162, %get3A_164 : vector<16xf32>
    %get3A_166 = arith.constant 592 : index
    %get3A_167 = tpu.vector_load %arg4[%get3A_166] {strides = array<i32>} : memref<3200xf32, #tpu.memory_space<vmem>>, vector<16xf32>,
    %max3A_168 = arith.maximumf %max3A_165, %get3A_167 : vector<16xf32>
    %get3A_169 = arith.constant 608 : index
    %get3A_170 = tpu.vector_load %arg4[%get3A_169] {strides = array<i32>} : memref<3200xf32, #tpu.memory_space<vmem>>, vector<16xf32>,
    %max3A_171 = arith.maximumf %max3A_168, %get3A_170 : vector<16xf32>
    %get3A_172 = arith.constant 624 : index
    %get3A_173 = tpu.vector_load %arg4[%get3A_172] {strides = array<i32>} : memref<3200xf32, #tpu.memory_space<vmem>>, vector<16xf32>,
    %max3A_174 = arith.maximumf %max3A_171, %get3A_173 : vector<16xf32>
    %broadcast_in_dim3A_175 = arith.constant true
    %broadcast_in_dim3A_176 = vector.broadcast %broadcast_in_dim3A_175 : i1 to vector<16xi1>
    %masked_cummax3A_177 = tpu.scan <max>, %max3A_174 masked %broadcast_in_dim3A_176 : vector<16xf32>, vector<16xi1> -> vector<16xf32>
    %rev3A_178 = arith.constant 15 : i32
    %rev3A_179 = vector.broadcast %rev3A_178 : i32 to vector<16xi32>
    %rev3A_180 = tpu.iota {dimensions = array<i32: 0>} : vector<16xi32>
    %rev3A_181 = arith.subi %rev3A_179, %rev3A_180 : vector<16xi32>
    %rev3A_182 = tpu.dynamic_gather %masked_cummax3A_177[%rev3A_181] in [0] : vector<16xf32>, vector<16xi32> -> vector<16xf32>
    %broadcast_in_dim3A_183 = arith.constant true
    %broadcast_in_dim3A_184 = vector.broadcast %broadcast_in_dim3A_183 : i1 to vector<16xi1>
    %masked_cummax3A_185 = tpu.scan <max>, %rev3A_182 masked %broadcast_in_dim3A_184 : vector<16xf32>, vector<16xi1> -> vector<16xf32>
    %eq3A_186 = arith.constant 4 : i32
    %eq3A_187 = vector.broadcast %eq3A_186 : i32 to vector<16xi32>
    %eq3A_188 = arith.cmpi eq, %iota3A, %eq3A_187 : vector<16xi32>
    %select_n3A_189 = arith.select %eq3A_188, %masked_cummax3A_185, %select_n3A_151 : vector<16xi1>, vector<16xf32>
    %get3A_190 = arith.constant 640 : index
    %get3A_191 = tpu.vector_load %arg4[%get3A_190] {strides = array<i32>} : memref<3200xf32, #tpu.memory_space<vmem>>, vector<16xf32>,
    %get3A_192 = arith.constant 656 : index
    %get3A_193 = tpu.vector_load %arg4[%get3A_192] {strides = array<i32>} : memref<3200xf32, #tpu.memory_space<vmem>>, vector<16xf32>,
    %max3A_194 = arith.maximumf %get3A_191, %get3A_193 : vector<16xf32>
    %get3A_195 = arith.constant 672 : index
    %get3A_196 = tpu.vector_load %arg4[%get3A_195] {strides = array<i32>} : memref<3200xf32, #tpu.memory_space<vmem>>, vector<16xf32>,
    %max3A_197 = arith.maximumf %max3A_194, %get3A_196 : vector<16xf32>
    %get3A_198 = arith.constant 688 : index
    %get3A_199 = tpu.vector_load %arg4[%get3A_198] {strides = array<i32>} : memref<3200xf32, #tpu.memory_space<vmem>>, vector<16xf32>,
    %max3A_200 = arith.maximumf %max3A_197, %get3A_199 : vector<16xf32>
    %get3A_201 = arith.constant 704 : index
    %get3A_202 = tpu.vector_load %arg4[%get3A_201] {strides = array<i32>} : memref<3200xf32, #tpu.memory_space<vmem>>, vector<16xf32>,
    %max3A_203 = arith.maximumf %max3A_200, %get3A_202 : vector<16xf32>
    %get3A_204 = arith.constant 720 : index
    %get3A_205 = tpu.vector_load %arg4[%get3A_204] {strides = array<i32>} : memref<3200xf32, #tpu.memory_space<vmem>>, vector<16xf32>,
    %max3A_206 = arith.maximumf %max3A_203, %get3A_205 : vector<16xf32>
    %get3A_207 = arith.constant 736 : index
    %get3A_208 = tpu.vector_load %arg4[%get3A_207] {strides = array<i32>} : memref<3200xf32, #tpu.memory_space<vmem>>, vector<16xf32>,
    %max3A_209 = arith.maximumf %max3A_206, %get3A_208 : vector<16xf32>
    %get3A_210 = arith.constant 752 : index
    %get3A_211 = tpu.vector_load %arg4[%get3A_210] {strides = array<i32>} : memref<3200xf32, #tpu.memory_space<vmem>>, vector<16xf32>,
    %max3A_212 = arith.maximumf %max3A_209, %get3A_211 : vector<16xf32>
    %broadcast_in_dim3A_213 = arith.constant true
    %broadcast_in_dim3A_214 = vector.broadcast %broadcast_in_dim3A_213 : i1 to vector<16xi1>
    %masked_cummax3A_215 = tpu.scan <max>, %max3A_212 masked %broadcast_in_dim3A_214 : vector<16xf32>, vector<16xi1> -> vector<16xf32>
    %rev3A_216 = arith.constant 15 : i32
    %rev3A_217 = vector.broadcast %rev3A_216 : i32 to vector<16xi32>
    %rev3A_218 = tpu.iota {dimensions = array<i32: 0>} : vector<16xi32>
    %rev3A_219 = arith.subi %rev3A_217, %rev3A_218 : vector<16xi32>
    %rev3A_220 = tpu.dynamic_gather %masked_cummax3A_215[%rev3A_219] in [0] : vector<16xf32>, vector<16xi32> -> vector<16xf32>
    %broadcast_in_dim3A_221 = arith.constant true
    %broadcast_in_dim3A_222 = vector.broadcast %broadcast_in_dim3A_221 : i1 to vector<16xi1>
    %masked_cummax3A_223 = tpu.scan <max>, %rev3A_220 masked %broadcast_in_dim3A_222 : vector<16xf32>, vector<16xi1> -> vector<16xf32>
    %eq3A_224 = arith.constant 5 : i32
    %eq3A_225 = vector.broadcast %eq3A_224 : i32 to vector<16xi32>
    %eq3A_226 = arith.cmpi eq, %iota3A, %eq3A_225 : vector<16xi32>
    %select_n3A_227 = arith.select %eq3A_226, %masked_cummax3A_223, %select_n3A_189 : vector<16xi1>, vector<16xf32>
    %get3A_228 = arith.constant 768 : index
    %get3A_229 = tpu.vector_load %arg4[%get3A_228] {strides = array<i32>} : memref<3200xf32, #tpu.memory_space<vmem>>, vector<16xf32>,
    %get3A_230 = arith.constant 784 : index
    %get3A_231 = tpu.vector_load %arg4[%get3A_230] {strides = array<i32>} : memref<3200xf32, #tpu.memory_space<vmem>>, vector<16xf32>,
    %max3A_232 = arith.maximumf %get3A_229, %get3A_231 : vector<16xf32>
    %get3A_233 = arith.constant 800 : index
    %get3A_234 = tpu.vector_load %arg4[%get3A_233] {strides = array<i32>} : memref<3200xf32, #tpu.memory_space<vmem>>, vector<16xf32>,
    %max3A_235 = arith.maximumf %max3A_232, %get3A_234 : vector<16xf32>
    %get3A_236 = arith.constant 816 : index
    %get3A_237 = tpu.vector_load %arg4[%get3A_236] {strides = array<i32>} : memref<3200xf32, #tpu.memory_space<vmem>>, vector<16xf32>,
    %max3A_238 = arith.maximumf %max3A_235, %get3A_237 : vector<16xf32>
    %get3A_239 = arith.constant 832 : index
    %get3A_240 = tpu.vector_load %arg4[%get3A_239] {strides = array<i32>} : memref<3200xf32, #tpu.memory_space<vmem>>, vector<16xf32>,
    %max3A_241 = arith.maximumf %max3A_238, %get3A_240 : vector<16xf32>
    %get3A_242 = arith.constant 848 : index
    %get3A_243 = tpu.vector_load %arg4[%get3A_242] {strides = array<i32>} : memref<3200xf32, #tpu.memory_space<vmem>>, vector<16xf32>,
    %max3A_244 = arith.maximumf %max3A_241, %get3A_243 : vector<16xf32>
    %get3A_245 = arith.constant 864 : index
    %get3A_246 = tpu.vector_load %arg4[%get3A_245] {strides = array<i32>} : memref<3200xf32, #tpu.memory_space<vmem>>, vector<16xf32>,
    %max3A_247 = arith.maximumf %max3A_244, %get3A_246 : vector<16xf32>
    %get3A_248 = arith.constant 880 : index
    %get3A_249 = tpu.vector_load %arg4[%get3A_248] {strides = array<i32>} : memref<3200xf32, #tpu.memory_space<vmem>>, vector<16xf32>,
    %max3A_250 = arith.maximumf %max3A_247, %get3A_249 : vector<16xf32>
    %broadcast_in_dim3A_251 = arith.constant true
    %broadcast_in_dim3A_252 = vector.broadcast %broadcast_in_dim3A_251 : i1 to vector<16xi1>
    %masked_cummax3A_253 = tpu.scan <max>, %max3A_250 masked %broadcast_in_dim3A_252 : vector<16xf32>, vector<16xi1> -> vector<16xf32>
    %rev3A_254 = arith.constant 15 : i32
    %rev3A_255 = vector.broadcast %rev3A_254 : i32 to vector<16xi32>
    %rev3A_256 = tpu.iota {dimensions = array<i32: 0>} : vector<16xi32>
    %rev3A_257 = arith.subi %rev3A_255, %rev3A_256 : vector<16xi32>
    %rev3A_258 = tpu.dynamic_gather %masked_cummax3A_253[%rev3A_257] in [0] : vector<16xf32>, vector<16xi32> -> vector<16xf32>
    %broadcast_in_dim3A_259 = arith.constant true
    %broadcast_in_dim3A_260 = vector.broadcast %broadcast_in_dim3A_259 : i1 to vector<16xi1>
    %masked_cummax3A_261 = tpu.scan <max>, %rev3A_258 masked %broadcast_in_dim3A_260 : vector<16xf32>, vector<16xi1> -> vector<16xf32>
    %eq3A_262 = arith.constant 6 : i32
    %eq3A_263 = vector.broadcast %eq3A_262 : i32 to vector<16xi32>
    %eq3A_264 = arith.cmpi eq, %iota3A, %eq3A_263 : vector<16xi32>
    %select_n3A_265 = arith.select %eq3A_264, %masked_cummax3A_261, %select_n3A_227 : vector<16xi1>, vector<16xf32>
    %get3A_266 = arith.constant 896 : index
    %get3A_267 = tpu.vector_load %arg4[%get3A_266] {strides = array<i32>} : memref<3200xf32, #tpu.memory_space<vmem>>, vector<16xf32>,
    %get3A_268 = arith.constant 912 : index
    %get3A_269 = tpu.vector_load %arg4[%get3A_268] {strides = array<i32>} : memref<3200xf32, #tpu.memory_space<vmem>>, vector<16xf32>,
    %max3A_270 = arith.maximumf %get3A_267, %get3A_269 : vector<16xf32>
    %get3A_271 = arith.constant 928 : index
    %get3A_272 = tpu.vector_load %arg4[%get3A_271] {strides = array<i32>} : memref<3200xf32, #tpu.memory_space<vmem>>, vector<16xf32>,
    %max3A_273 = arith.maximumf %max3A_270, %get3A_272 : vector<16xf32>
    %get3A_274 = arith.constant 944 : index
    %get3A_275 = tpu.vector_load %arg4[%get3A_274] {strides = array<i32>} : memref<3200xf32, #tpu.memory_space<vmem>>, vector<16xf32>,
    %max3A_276 = arith.maximumf %max3A_273, %get3A_275 : vector<16xf32>
    %get3A_277 = arith.constant 960 : index
    %get3A_278 = tpu.vector_load %arg4[%get3A_277] {strides = array<i32>} : memref<3200xf32, #tpu.memory_space<vmem>>, vector<16xf32>,
    %max3A_279 = arith.maximumf %max3A_276, %get3A_278 : vector<16xf32>
    %get3A_280 = arith.constant 976 : index
    %get3A_281 = tpu.vector_load %arg4[%get3A_280] {strides = array<i32>} : memref<3200xf32, #tpu.memory_space<vmem>>, vector<16xf32>,
    %max3A_282 = arith.maximumf %max3A_279, %get3A_281 : vector<16xf32>
    %get3A_283 = arith.constant 992 : index
    %get3A_284 = tpu.vector_load %arg4[%get3A_283] {strides = array<i32>} : memref<3200xf32, #tpu.memory_space<vmem>>, vector<16xf32>,
    %max3A_285 = arith.maximumf %max3A_282, %get3A_284 : vector<16xf32>
    %get3A_286 = arith.constant 1008 : index
    %get3A_287 = tpu.vector_load %arg4[%get3A_286] {strides = array<i32>} : memref<3200xf32, #tpu.memory_space<vmem>>, vector<16xf32>,
    %max3A_288 = arith.maximumf %max3A_285, %get3A_287 : vector<16xf32>
    %broadcast_in_dim3A_289 = arith.constant true
    %broadcast_in_dim3A_290 = vector.broadcast %broadcast_in_dim3A_289 : i1 to vector<16xi1>
    %masked_cummax3A_291 = tpu.scan <max>, %max3A_288 masked %broadcast_in_dim3A_290 : vector<16xf32>, vector<16xi1> -> vector<16xf32>
    %rev3A_292 = arith.constant 15 : i32
    %rev3A_293 = vector.broadcast %rev3A_292 : i32 to vector<16xi32>
    %rev3A_294 = tpu.iota {dimensions = array<i32: 0>} : vector<16xi32>
    %rev3A_295 = arith.subi %rev3A_293, %rev3A_294 : vector<16xi32>
    %rev3A_296 = tpu.dynamic_gather %masked_cummax3A_291[%rev3A_295] in [0] : vector<16xf32>, vector<16xi32> -> vector<16xf32>
    %broadcast_in_dim3A_297 = arith.constant true
    %broadcast_in_dim3A_298 = vector.broadcast %broadcast_in_dim3A_297 : i1 to vector<16xi1>
    %masked_cummax3A_299 = tpu.scan <max>, %rev3A_296 masked %broadcast_in_dim3A_298 : vector<16xf32>, vector<16xi1> -> vector<16xf32>
    %eq3A_300 = arith.constant 7 : i32
    %eq3A_301 = vector.broadcast %eq3A_300 : i32 to vector<16xi32>
    %eq3A_302 = arith.cmpi eq, %iota3A, %eq3A_301 : vector<16xi32>
    %select_n3A_303 = arith.select %eq3A_302, %masked_cummax3A_299, %select_n3A_265 : vector<16xi1>, vector<16xf32>
    %get3A_304 = arith.constant 1024 : index
    %get3A_305 = tpu.vector_load %arg4[%get3A_304] {strides = array<i32>} : memref<3200xf32, #tpu.memory_space<vmem>>, vector<16xf32>,
    %get3A_306 = arith.constant 1040 : index
    %get3A_307 = tpu.vector_load %arg4[%get3A_306] {strides = array<i32>} : memref<3200xf32, #tpu.memory_space<vmem>>, vector<16xf32>,
    %max3A_308 = arith.maximumf %get3A_305, %get3A_307 : vector<16xf32>
    %get3A_309 = arith.constant 1056 : index
    %get3A_310 = tpu.vector_load %arg4[%get3A_309] {strides = array<i32>} : memref<3200xf32, #tpu.memory_space<vmem>>, vector<16xf32>,
    %max3A_311 = arith.maximumf %max3A_308, %get3A_310 : vector<16xf32>
    %get3A_312 = arith.constant 1072 : index
    %get3A_313 = tpu.vector_load %arg4[%get3A_312] {strides = array<i32>} : memref<3200xf32, #tpu.memory_space<vmem>>, vector<16xf32>,
    %max3A_314 = arith.maximumf %max3A_311, %get3A_313 : vector<16xf32>
    %get3A_315 = arith.constant 1088 : index
    %get3A_316 = tpu.vector_load %arg4[%get3A_315] {strides = array<i32>} : memref<3200xf32, #tpu.memory_space<vmem>>, vector<16xf32>,
    %max3A_317 = arith.maximumf %max3A_314, %get3A_316 : vector<16xf32>
    %get3A_318 = arith.constant 1104 : index
    %get3A_319 = tpu.vector_load %arg4[%get3A_318] {strides = array<i32>} : memref<3200xf32, #tpu.memory_space<vmem>>, vector<16xf32>,
    %max3A_320 = arith.maximumf %max3A_317, %get3A_319 : vector<16xf32>
    %get3A_321 = arith.constant 1120 : index
    %get3A_322 = tpu.vector_load %arg4[%get3A_321] {strides = array<i32>} : memref<3200xf32, #tpu.memory_space<vmem>>, vector<16xf32>,
    %max3A_323 = arith.maximumf %max3A_320, %get3A_322 : vector<16xf32>
    %get3A_324 = arith.constant 1136 : index
    %get3A_325 = tpu.vector_load %arg4[%get3A_324] {strides = array<i32>} : memref<3200xf32, #tpu.memory_space<vmem>>, vector<16xf32>,
    %max3A_326 = arith.maximumf %max3A_323, %get3A_325 : vector<16xf32>
    %broadcast_in_dim3A_327 = arith.constant true
    %broadcast_in_dim3A_328 = vector.broadcast %broadcast_in_dim3A_327 : i1 to vector<16xi1>
    %masked_cummax3A_329 = tpu.scan <max>, %max3A_326 masked %broadcast_in_dim3A_328 : vector<16xf32>, vector<16xi1> -> vector<16xf32>
    %rev3A_330 = arith.constant 15 : i32
    %rev3A_331 = vector.broadcast %rev3A_330 : i32 to vector<16xi32>
    %rev3A_332 = tpu.iota {dimensions = array<i32: 0>} : vector<16xi32>
    %rev3A_333 = arith.subi %rev3A_331, %rev3A_332 : vector<16xi32>
    %rev3A_334 = tpu.dynamic_gather %masked_cummax3A_329[%rev3A_333] in [0] : vector<16xf32>, vector<16xi32> -> vector<16xf32>
    %broadcast_in_dim3A_335 = arith.constant true
    %broadcast_in_dim3A_336 = vector.broadcast %broadcast_in_dim3A_335 : i1 to vector<16xi1>
    %masked_cummax3A_337 = tpu.scan <max>, %rev3A_334 masked %broadcast_in_dim3A_336 : vector<16xf32>, vector<16xi1> -> vector<16xf32>
    %eq3A_338 = arith.constant 8 : i32
    %eq3A_339 = vector.broadcast %eq3A_338 : i32 to vector<16xi32>
    %eq3A_340 = arith.cmpi eq, %iota3A, %eq3A_339 : vector<16xi32>
    %select_n3A_341 = arith.select %eq3A_340, %masked_cummax3A_337, %select_n3A_303 : vector<16xi1>, vector<16xf32>
    %get3A_342 = arith.constant 1152 : index
    %get3A_343 = tpu.vector_load %arg4[%get3A_342] {strides = array<i32>} : memref<3200xf32, #tpu.memory_space<vmem>>, vector<16xf32>,
    %get3A_344 = arith.constant 1168 : index
    %get3A_345 = tpu.vector_load %arg4[%get3A_344] {strides = array<i32>} : memref<3200xf32, #tpu.memory_space<vmem>>, vector<16xf32>,
    %max3A_346 = arith.maximumf %get3A_343, %get3A_345 : vector<16xf32>
    %get3A_347 = arith.constant 1184 : index
    %get3A_348 = tpu.vector_load %arg4[%get3A_347] {strides = array<i32>} : memref<3200xf32, #tpu.memory_space<vmem>>, vector<16xf32>,
    %max3A_349 = arith.maximumf %max3A_346, %get3A_348 : vector<16xf32>
    %get3A_350 = arith.constant 1200 : index
    %get3A_351 = tpu.vector_load %arg4[%get3A_350] {strides = array<i32>} : memref<3200xf32, #tpu.memory_space<vmem>>, vector<16xf32>,
    %max3A_352 = arith.maximumf %max3A_349, %get3A_351 : vector<16xf32>
    %get3A_353 = arith.constant 1216 : index
    %get3A_354 = tpu.vector_load %arg4[%get3A_353] {strides = array<i32>} : memref<3200xf32, #tpu.memory_space<vmem>>, vector<16xf32>,
    %max3A_355 = arith.maximumf %max3A_352, %get3A_354 : vector<16xf32>
    %get3A_356 = arith.constant 1232 : index
    %get3A_357 = tpu.vector_load %arg4[%get3A_356] {strides = array<i32>} : memref<3200xf32, #tpu.memory_space<vmem>>, vector<16xf32>,
    %max3A_358 = arith.maximumf %max3A_355, %get3A_357 : vector<16xf32>
    %get3A_359 = arith.constant 1248 : index
    %get3A_360 = tpu.vector_load %arg4[%get3A_359] {strides = array<i32>} : memref<3200xf32, #tpu.memory_space<vmem>>, vector<16xf32>,
    %max3A_361 = arith.maximumf %max3A_358, %get3A_360 : vector<16xf32>
    %get3A_362 = arith.constant 1264 : index
    %get3A_363 = tpu.vector_load %arg4[%get3A_362] {strides = array<i32>} : memref<3200xf32, #tpu.memory_space<vmem>>, vector<16xf32>,
    %max3A_364 = arith.maximumf %max3A_361, %get3A_363 : vector<16xf32>
    %broadcast_in_dim3A_365 = arith.constant true
    %broadcast_in_dim3A_366 = vector.broadcast %broadcast_in_dim3A_365 : i1 to vector<16xi1>
    %masked_cummax3A_367 = tpu.scan <max>, %max3A_364 masked %broadcast_in_dim3A_366 : vector<16xf32>, vector<16xi1> -> vector<16xf32>
    %rev3A_368 = arith.constant 15 : i32
    %rev3A_369 = vector.broadcast %rev3A_368 : i32 to vector<16xi32>
    %rev3A_370 = tpu.iota {dimensions = array<i32: 0>} : vector<16xi32>
    %rev3A_371 = arith.subi %rev3A_369, %rev3A_370 : vector<16xi32>
    %rev3A_372 = tpu.dynamic_gather %masked_cummax3A_367[%rev3A_371] in [0] : vector<16xf32>, vector<16xi32> -> vector<16xf32>
    %broadcast_in_dim3A_373 = arith.constant true
    %broadcast_in_dim3A_374 = vector.broadcast %broadcast_in_dim3A_373 : i1 to vector<16xi1>
    %masked_cummax3A_375 = tpu.scan <max>, %rev3A_372 masked %broadcast_in_dim3A_374 : vector<16xf32>, vector<16xi1> -> vector<16xf32>
    %eq3A_376 = arith.constant 9 : i32
    %eq3A_377 = vector.broadcast %eq3A_376 : i32 to vector<16xi32>
    %eq3A_378 = arith.cmpi eq, %iota3A, %eq3A_377 : vector<16xi32>
    %select_n3A_379 = arith.select %eq3A_378, %masked_cummax3A_375, %select_n3A_341 : vector<16xi1>, vector<16xf32>
    %get3A_380 = arith.constant 1280 : index
    %get3A_381 = tpu.vector_load %arg4[%get3A_380] {strides = array<i32>} : memref<3200xf32, #tpu.memory_space<vmem>>, vector<16xf32>,
    %get3A_382 = arith.constant 1296 : index
    %get3A_383 = tpu.vector_load %arg4[%get3A_382] {strides = array<i32>} : memref<3200xf32, #tpu.memory_space<vmem>>, vector<16xf32>,
    %max3A_384 = arith.maximumf %get3A_381, %get3A_383 : vector<16xf32>
    %get3A_385 = arith.constant 1312 : index
    %get3A_386 = tpu.vector_load %arg4[%get3A_385] {strides = array<i32>} : memref<3200xf32, #tpu.memory_space<vmem>>, vector<16xf32>,
    %max3A_387 = arith.maximumf %max3A_384, %get3A_386 : vector<16xf32>
    %get3A_388 = arith.constant 1328 : index
    %get3A_389 = tpu.vector_load %arg4[%get3A_388] {strides = array<i32>} : memref<3200xf32, #tpu.memory_space<vmem>>, vector<16xf32>,
    %max3A_390 = arith.maximumf %max3A_387, %get3A_389 : vector<16xf32>
    %get3A_391 = arith.constant 1344 : index
    %get3A_392 = tpu.vector_load %arg4[%get3A_391] {strides = array<i32>} : memref<3200xf32, #tpu.memory_space<vmem>>, vector<16xf32>,
    %max3A_393 = arith.maximumf %max3A_390, %get3A_392 : vector<16xf32>
    %get3A_394 = arith.constant 1360 : index
    %get3A_395 = tpu.vector_load %arg4[%get3A_394] {strides = array<i32>} : memref<3200xf32, #tpu.memory_space<vmem>>, vector<16xf32>,
    %max3A_396 = arith.maximumf %max3A_393, %get3A_395 : vector<16xf32>
    %get3A_397 = arith.constant 1376 : index
    %get3A_398 = tpu.vector_load %arg4[%get3A_397] {strides = array<i32>} : memref<3200xf32, #tpu.memory_space<vmem>>, vector<16xf32>,
    %max3A_399 = arith.maximumf %max3A_396, %get3A_398 : vector<16xf32>
    %get3A_400 = arith.constant 1392 : index
    %get3A_401 = tpu.vector_load %arg4[%get3A_400] {strides = array<i32>} : memref<3200xf32, #tpu.memory_space<vmem>>, vector<16xf32>,
    %max3A_402 = arith.maximumf %max3A_399, %get3A_401 : vector<16xf32>
    %broadcast_in_dim3A_403 = arith.constant true
    %broadcast_in_dim3A_404 = vector.broadcast %broadcast_in_dim3A_403 : i1 to vector<16xi1>
    %masked_cummax3A_405 = tpu.scan <max>, %max3A_402 masked %broadcast_in_dim3A_404 : vector<16xf32>, vector<16xi1> -> vector<16xf32>
    %rev3A_406 = arith.constant 15 : i32
    %rev3A_407 = vector.broadcast %rev3A_406 : i32 to vector<16xi32>
    %rev3A_408 = tpu.iota {dimensions = array<i32: 0>} : vector<16xi32>
    %rev3A_409 = arith.subi %rev3A_407, %rev3A_408 : vector<16xi32>
    %rev3A_410 = tpu.dynamic_gather %masked_cummax3A_405[%rev3A_409] in [0] : vector<16xf32>, vector<16xi32> -> vector<16xf32>
    %broadcast_in_dim3A_411 = arith.constant true
    %broadcast_in_dim3A_412 = vector.broadcast %broadcast_in_dim3A_411 : i1 to vector<16xi1>
    %masked_cummax3A_413 = tpu.scan <max>, %rev3A_410 masked %broadcast_in_dim3A_412 : vector<16xf32>, vector<16xi1> -> vector<16xf32>
    %eq3A_414 = arith.constant 10 : i32
    %eq3A_415 = vector.broadcast %eq3A_414 : i32 to vector<16xi32>
    %eq3A_416 = arith.cmpi eq, %iota3A, %eq3A_415 : vector<16xi32>
    %select_n3A_417 = arith.select %eq3A_416, %masked_cummax3A_413, %select_n3A_379 : vector<16xi1>, vector<16xf32>
    %get3A_418 = arith.constant 1408 : index
    %get3A_419 = tpu.vector_load %arg4[%get3A_418] {strides = array<i32>} : memref<3200xf32, #tpu.memory_space<vmem>>, vector<16xf32>,
    %get3A_420 = arith.constant 1424 : index
    %get3A_421 = tpu.vector_load %arg4[%get3A_420] {strides = array<i32>} : memref<3200xf32, #tpu.memory_space<vmem>>, vector<16xf32>,
    %max3A_422 = arith.maximumf %get3A_419, %get3A_421 : vector<16xf32>
    %get3A_423 = arith.constant 1440 : index
    %get3A_424 = tpu.vector_load %arg4[%get3A_423] {strides = array<i32>} : memref<3200xf32, #tpu.memory_space<vmem>>, vector<16xf32>,
    %max3A_425 = arith.maximumf %max3A_422, %get3A_424 : vector<16xf32>
    %get3A_426 = arith.constant 1456 : index
    %get3A_427 = tpu.vector_load %arg4[%get3A_426] {strides = array<i32>} : memref<3200xf32, #tpu.memory_space<vmem>>, vector<16xf32>,
    %max3A_428 = arith.maximumf %max3A_425, %get3A_427 : vector<16xf32>
    %get3A_429 = arith.constant 1472 : index
    %get3A_430 = tpu.vector_load %arg4[%get3A_429] {strides = array<i32>} : memref<3200xf32, #tpu.memory_space<vmem>>, vector<16xf32>,
    %max3A_431 = arith.maximumf %max3A_428, %get3A_430 : vector<16xf32>
    %get3A_432 = arith.constant 1488 : index
    %get3A_433 = tpu.vector_load %arg4[%get3A_432] {strides = array<i32>} : memref<3200xf32, #tpu.memory_space<vmem>>, vector<16xf32>,
    %max3A_434 = arith.maximumf %max3A_431, %get3A_433 : vector<16xf32>
    %get3A_435 = arith.constant 1504 : index
    %get3A_436 = tpu.vector_load %arg4[%get3A_435] {strides = array<i32>} : memref<3200xf32, #tpu.memory_space<vmem>>, vector<16xf32>,
    %max3A_437 = arith.maximumf %max3A_434, %get3A_436 : vector<16xf32>
    %get3A_438 = arith.constant 1520 : index
    %get3A_439 = tpu.vector_load %arg4[%get3A_438] {strides = array<i32>} : memref<3200xf32, #tpu.memory_space<vmem>>, vector<16xf32>,
    %max3A_440 = arith.maximumf %max3A_437, %get3A_439 : vector<16xf32>
    %broadcast_in_dim3A_441 = arith.constant true
    %broadcast_in_dim3A_442 = vector.broadcast %broadcast_in_dim3A_441 : i1 to vector<16xi1>
    %masked_cummax3A_443 = tpu.scan <max>, %max3A_440 masked %broadcast_in_dim3A_442 : vector<16xf32>, vector<16xi1> -> vector<16xf32>
    %rev3A_444 = arith.constant 15 : i32
    %rev3A_445 = vector.broadcast %rev3A_444 : i32 to vector<16xi32>
    %rev3A_446 = tpu.iota {dimensions = array<i32: 0>} : vector<16xi32>
    %rev3A_447 = arith.subi %rev3A_445, %rev3A_446 : vector<16xi32>
    %rev3A_448 = tpu.dynamic_gather %masked_cummax3A_443[%rev3A_447] in [0] : vector<16xf32>, vector<16xi32> -> vector<16xf32>
    %broadcast_in_dim3A_449 = arith.constant true
    %broadcast_in_dim3A_450 = vector.broadcast %broadcast_in_dim3A_449 : i1 to vector<16xi1>
    %masked_cummax3A_451 = tpu.scan <max>, %rev3A_448 masked %broadcast_in_dim3A_450 : vector<16xf32>, vector<16xi1> -> vector<16xf32>
    %eq3A_452 = arith.constant 11 : i32
    %eq3A_453 = vector.broadcast %eq3A_452 : i32 to vector<16xi32>
    %eq3A_454 = arith.cmpi eq, %iota3A, %eq3A_453 : vector<16xi32>
    %select_n3A_455 = arith.select %eq3A_454, %masked_cummax3A_451, %select_n3A_417 : vector<16xi1>, vector<16xf32>
    %get3A_456 = arith.constant 1536 : index
    %get3A_457 = tpu.vector_load %arg4[%get3A_456] {strides = array<i32>} : memref<3200xf32, #tpu.memory_space<vmem>>, vector<16xf32>,
    %get3A_458 = arith.constant 1552 : index
    %get3A_459 = tpu.vector_load %arg4[%get3A_458] {strides = array<i32>} : memref<3200xf32, #tpu.memory_space<vmem>>, vector<16xf32>,
    %max3A_460 = arith.maximumf %get3A_457, %get3A_459 : vector<16xf32>
    %get3A_461 = arith.constant 1568 : index
    %get3A_462 = tpu.vector_load %arg4[%get3A_461] {strides = array<i32>} : memref<3200xf32, #tpu.memory_space<vmem>>, vector<16xf32>,
    %max3A_463 = arith.maximumf %max3A_460, %get3A_462 : vector<16xf32>
    %get3A_464 = arith.constant 1584 : index
    %get3A_465 = tpu.vector_load %arg4[%get3A_464] {strides = array<i32>} : memref<3200xf32, #tpu.memory_space<vmem>>, vector<16xf32>,
    %max3A_466 = arith.maximumf %max3A_463, %get3A_465 : vector<16xf32>
    %get3A_467 = arith.constant 1600 : index
    %get3A_468 = tpu.vector_load %arg4[%get3A_467] {strides = array<i32>} : memref<3200xf32, #tpu.memory_space<vmem>>, vector<16xf32>,
    %max3A_469 = arith.maximumf %max3A_466, %get3A_468 : vector<16xf32>
    %get3A_470 = arith.constant 1616 : index
    %get3A_471 = tpu.vector_load %arg4[%get3A_470] {strides = array<i32>} : memref<3200xf32, #tpu.memory_space<vmem>>, vector<16xf32>,
    %max3A_472 = arith.maximumf %max3A_469, %get3A_471 : vector<16xf32>
    %get3A_473 = arith.constant 1632 : index
    %get3A_474 = tpu.vector_load %arg4[%get3A_473] {strides = array<i32>} : memref<3200xf32, #tpu.memory_space<vmem>>, vector<16xf32>,
    %max3A_475 = arith.maximumf %max3A_472, %get3A_474 : vector<16xf32>
    %get3A_476 = arith.constant 1648 : index
    %get3A_477 = tpu.vector_load %arg4[%get3A_476] {strides = array<i32>} : memref<3200xf32, #tpu.memory_space<vmem>>, vector<16xf32>,
    %max3A_478 = arith.maximumf %max3A_475, %get3A_477 : vector<16xf32>
    %broadcast_in_dim3A_479 = arith.constant true
    %broadcast_in_dim3A_480 = vector.broadcast %broadcast_in_dim3A_479 : i1 to vector<16xi1>
    %masked_cummax3A_481 = tpu.scan <max>, %max3A_478 masked %broadcast_in_dim3A_480 : vector<16xf32>, vector<16xi1> -> vector<16xf32>
    %rev3A_482 = arith.constant 15 : i32
    %rev3A_483 = vector.broadcast %rev3A_482 : i32 to vector<16xi32>
    %rev3A_484 = tpu.iota {dimensions = array<i32: 0>} : vector<16xi32>
    %rev3A_485 = arith.subi %rev3A_483, %rev3A_484 : vector<16xi32>
    %rev3A_486 = tpu.dynamic_gather %masked_cummax3A_481[%rev3A_485] in [0] : vector<16xf32>, vector<16xi32> -> vector<16xf32>
    %broadcast_in_dim3A_487 = arith.constant true
    %broadcast_in_dim3A_488 = vector.broadcast %broadcast_in_dim3A_487 : i1 to vector<16xi1>
    %masked_cummax3A_489 = tpu.scan <max>, %rev3A_486 masked %broadcast_in_dim3A_488 : vector<16xf32>, vector<16xi1> -> vector<16xf32>
    %eq3A_490 = arith.constant 12 : i32
    %eq3A_491 = vector.broadcast %eq3A_490 : i32 to vector<16xi32>
    %eq3A_492 = arith.cmpi eq, %iota3A, %eq3A_491 : vector<16xi32>
    %select_n3A_493 = arith.select %eq3A_492, %masked_cummax3A_489, %select_n3A_455 : vector<16xi1>, vector<16xf32>
    %get3A_494 = arith.constant 1664 : index
    %get3A_495 = tpu.vector_load %arg4[%get3A_494] {strides = array<i32>} : memref<3200xf32, #tpu.memory_space<vmem>>, vector<16xf32>,
    %get3A_496 = arith.constant 1680 : index
    %get3A_497 = tpu.vector_load %arg4[%get3A_496] {strides = array<i32>} : memref<3200xf32, #tpu.memory_space<vmem>>, vector<16xf32>,
    %max3A_498 = arith.maximumf %get3A_495, %get3A_497 : vector<16xf32>
    %get3A_499 = arith.constant 1696 : index
    %get3A_500 = tpu.vector_load %arg4[%get3A_499] {strides = array<i32>} : memref<3200xf32, #tpu.memory_space<vmem>>, vector<16xf32>,
    %max3A_501 = arith.maximumf %max3A_498, %get3A_500 : vector<16xf32>
    %get3A_502 = arith.constant 1712 : index
    %get3A_503 = tpu.vector_load %arg4[%get3A_502] {strides = array<i32>} : memref<3200xf32, #tpu.memory_space<vmem>>, vector<16xf32>,
    %max3A_504 = arith.maximumf %max3A_501, %get3A_503 : vector<16xf32>
    %get3A_505 = arith.constant 1728 : index
    %get3A_506 = tpu.vector_load %arg4[%get3A_505] {strides = array<i32>} : memref<3200xf32, #tpu.memory_space<vmem>>, vector<16xf32>,
    %max3A_507 = arith.maximumf %max3A_504, %get3A_506 : vector<16xf32>
    %get3A_508 = arith.constant 1744 : index
    %get3A_509 = tpu.vector_load %arg4[%get3A_508] {strides = array<i32>} : memref<3200xf32, #tpu.memory_space<vmem>>, vector<16xf32>,
    %max3A_510 = arith.maximumf %max3A_507, %get3A_509 : vector<16xf32>
    %get3A_511 = arith.constant 1760 : index
    %get3A_512 = tpu.vector_load %arg4[%get3A_511] {strides = array<i32>} : memref<3200xf32, #tpu.memory_space<vmem>>, vector<16xf32>,
    %max3A_513 = arith.maximumf %max3A_510, %get3A_512 : vector<16xf32>
    %get3A_514 = arith.constant 1776 : index
    %get3A_515 = tpu.vector_load %arg4[%get3A_514] {strides = array<i32>} : memref<3200xf32, #tpu.memory_space<vmem>>, vector<16xf32>,
    %max3A_516 = arith.maximumf %max3A_513, %get3A_515 : vector<16xf32>
    %broadcast_in_dim3A_517 = arith.constant true
    %broadcast_in_dim3A_518 = vector.broadcast %broadcast_in_dim3A_517 : i1 to vector<16xi1>
    %masked_cummax3A_519 = tpu.scan <max>, %max3A_516 masked %broadcast_in_dim3A_518 : vector<16xf32>, vector<16xi1> -> vector<16xf32>
    %rev3A_520 = arith.constant 15 : i32
    %rev3A_521 = vector.broadcast %rev3A_520 : i32 to vector<16xi32>
    %rev3A_522 = tpu.iota {dimensions = array<i32: 0>} : vector<16xi32>
    %rev3A_523 = arith.subi %rev3A_521, %rev3A_522 : vector<16xi32>
    %rev3A_524 = tpu.dynamic_gather %masked_cummax3A_519[%rev3A_523] in [0] : vector<16xf32>, vector<16xi32> -> vector<16xf32>
    %broadcast_in_dim3A_525 = arith.constant true
    %broadcast_in_dim3A_526 = vector.broadcast %broadcast_in_dim3A_525 : i1 to vector<16xi1>
    %masked_cummax3A_527 = tpu.scan <max>, %rev3A_524 masked %broadcast_in_dim3A_526 : vector<16xf32>, vector<16xi1> -> vector<16xf32>
    %eq3A_528 = arith.constant 13 : i32
    %eq3A_529 = vector.broadcast %eq3A_528 : i32 to vector<16xi32>
    %eq3A_530 = arith.cmpi eq, %iota3A, %eq3A_529 : vector<16xi32>
    %select_n3A_531 = arith.select %eq3A_530, %masked_cummax3A_527, %select_n3A_493 : vector<16xi1>, vector<16xf32>
    %get3A_532 = arith.constant 1792 : index
    %get3A_533 = tpu.vector_load %arg4[%get3A_532] {strides = array<i32>} : memref<3200xf32, #tpu.memory_space<vmem>>, vector<16xf32>,
    %get3A_534 = arith.constant 1808 : index
    %get3A_535 = tpu.vector_load %arg4[%get3A_534] {strides = array<i32>} : memref<3200xf32, #tpu.memory_space<vmem>>, vector<16xf32>,
    %max3A_536 = arith.maximumf %get3A_533, %get3A_535 : vector<16xf32>
    %get3A_537 = arith.constant 1824 : index
    %get3A_538 = tpu.vector_load %arg4[%get3A_537] {strides = array<i32>} : memref<3200xf32, #tpu.memory_space<vmem>>, vector<16xf32>,
    %max3A_539 = arith.maximumf %max3A_536, %get3A_538 : vector<16xf32>
    %get3A_540 = arith.constant 1840 : index
    %get3A_541 = tpu.vector_load %arg4[%get3A_540] {strides = array<i32>} : memref<3200xf32, #tpu.memory_space<vmem>>, vector<16xf32>,
    %max3A_542 = arith.maximumf %max3A_539, %get3A_541 : vector<16xf32>
    %get3A_543 = arith.constant 1856 : index
    %get3A_544 = tpu.vector_load %arg4[%get3A_543] {strides = array<i32>} : memref<3200xf32, #tpu.memory_space<vmem>>, vector<16xf32>,
    %max3A_545 = arith.maximumf %max3A_542, %get3A_544 : vector<16xf32>
    %get3A_546 = arith.constant 1872 : index
    %get3A_547 = tpu.vector_load %arg4[%get3A_546] {strides = array<i32>} : memref<3200xf32, #tpu.memory_space<vmem>>, vector<16xf32>,
    %max3A_548 = arith.maximumf %max3A_545, %get3A_547 : vector<16xf32>
    %get3A_549 = arith.constant 1888 : index
    %get3A_550 = tpu.vector_load %arg4[%get3A_549] {strides = array<i32>} : memref<3200xf32, #tpu.memory_space<vmem>>, vector<16xf32>,
    %max3A_551 = arith.maximumf %max3A_548, %get3A_550 : vector<16xf32>
    %get3A_552 = arith.constant 1904 : index
    %get3A_553 = tpu.vector_load %arg4[%get3A_552] {strides = array<i32>} : memref<3200xf32, #tpu.memory_space<vmem>>, vector<16xf32>,
    %max3A_554 = arith.maximumf %max3A_551, %get3A_553 : vector<16xf32>
    %broadcast_in_dim3A_555 = arith.constant true
    %broadcast_in_dim3A_556 = vector.broadcast %broadcast_in_dim3A_555 : i1 to vector<16xi1>
    %masked_cummax3A_557 = tpu.scan <max>, %max3A_554 masked %broadcast_in_dim3A_556 : vector<16xf32>, vector<16xi1> -> vector<16xf32>
    %rev3A_558 = arith.constant 15 : i32
    %rev3A_559 = vector.broadcast %rev3A_558 : i32 to vector<16xi32>
    %rev3A_560 = tpu.iota {dimensions = array<i32: 0>} : vector<16xi32>
    %rev3A_561 = arith.subi %rev3A_559, %rev3A_560 : vector<16xi32>
    %rev3A_562 = tpu.dynamic_gather %masked_cummax3A_557[%rev3A_561] in [0] : vector<16xf32>, vector<16xi32> -> vector<16xf32>
    %broadcast_in_dim3A_563 = arith.constant true
    %broadcast_in_dim3A_564 = vector.broadcast %broadcast_in_dim3A_563 : i1 to vector<16xi1>
    %masked_cummax3A_565 = tpu.scan <max>, %rev3A_562 masked %broadcast_in_dim3A_564 : vector<16xf32>, vector<16xi1> -> vector<16xf32>
    %eq3A_566 = arith.constant 14 : i32
    %eq3A_567 = vector.broadcast %eq3A_566 : i32 to vector<16xi32>
    %eq3A_568 = arith.cmpi eq, %iota3A, %eq3A_567 : vector<16xi32>
    %select_n3A_569 = arith.select %eq3A_568, %masked_cummax3A_565, %select_n3A_531 : vector<16xi1>, vector<16xf32>
    %get3A_570 = arith.constant 1920 : index
    %get3A_571 = tpu.vector_load %arg4[%get3A_570] {strides = array<i32>} : memref<3200xf32, #tpu.memory_space<vmem>>, vector<16xf32>,
    %get3A_572 = arith.constant 1936 : index
    %get3A_573 = tpu.vector_load %arg4[%get3A_572] {strides = array<i32>} : memref<3200xf32, #tpu.memory_space<vmem>>, vector<16xf32>,
    %max3A_574 = arith.maximumf %get3A_571, %get3A_573 : vector<16xf32>
    %get3A_575 = arith.constant 1952 : index
    %get3A_576 = tpu.vector_load %arg4[%get3A_575] {strides = array<i32>} : memref<3200xf32, #tpu.memory_space<vmem>>, vector<16xf32>,
    %max3A_577 = arith.maximumf %max3A_574, %get3A_576 : vector<16xf32>
    %get3A_578 = arith.constant 1968 : index
    %get3A_579 = tpu.vector_load %arg4[%get3A_578] {strides = array<i32>} : memref<3200xf32, #tpu.memory_space<vmem>>, vector<16xf32>,
    %max3A_580 = arith.maximumf %max3A_577, %get3A_579 : vector<16xf32>
    %get3A_581 = arith.constant 1984 : index
    %get3A_582 = tpu.vector_load %arg4[%get3A_581] {strides = array<i32>} : memref<3200xf32, #tpu.memory_space<vmem>>, vector<16xf32>,
    %max3A_583 = arith.maximumf %max3A_580, %get3A_582 : vector<16xf32>
    %get3A_584 = arith.constant 2000 : index
    %get3A_585 = tpu.vector_load %arg4[%get3A_584] {strides = array<i32>} : memref<3200xf32, #tpu.memory_space<vmem>>, vector<16xf32>,
    %max3A_586 = arith.maximumf %max3A_583, %get3A_585 : vector<16xf32>
    %get3A_587 = arith.constant 2016 : index
    %get3A_588 = tpu.vector_load %arg4[%get3A_587] {strides = array<i32>} : memref<3200xf32, #tpu.memory_space<vmem>>, vector<16xf32>,
    %max3A_589 = arith.maximumf %max3A_586, %get3A_588 : vector<16xf32>
    %get3A_590 = arith.constant 2032 : index
    %get3A_591 = tpu.vector_load %arg4[%get3A_590] {strides = array<i32>} : memref<3200xf32, #tpu.memory_space<vmem>>, vector<16xf32>,
    %max3A_592 = arith.maximumf %max3A_589, %get3A_591 : vector<16xf32>
    %broadcast_in_dim3A_593 = arith.constant true
    %broadcast_in_dim3A_594 = vector.broadcast %broadcast_in_dim3A_593 : i1 to vector<16xi1>
    %masked_cummax3A_595 = tpu.scan <max>, %max3A_592 masked %broadcast_in_dim3A_594 : vector<16xf32>, vector<16xi1> -> vector<16xf32>
    %rev3A_596 = arith.constant 15 : i32
    %rev3A_597 = vector.broadcast %rev3A_596 : i32 to vector<16xi32>
    %rev3A_598 = tpu.iota {dimensions = array<i32: 0>} : vector<16xi32>
    %rev3A_599 = arith.subi %rev3A_597, %rev3A_598 : vector<16xi32>
    %rev3A_600 = tpu.dynamic_gather %masked_cummax3A_595[%rev3A_599] in [0] : vector<16xf32>, vector<16xi32> -> vector<16xf32>
    %broadcast_in_dim3A_601 = arith.constant true
    %broadcast_in_dim3A_602 = vector.broadcast %broadcast_in_dim3A_601 : i1 to vector<16xi1>
    %masked_cummax3A_603 = tpu.scan <max>, %rev3A_600 masked %broadcast_in_dim3A_602 : vector<16xf32>, vector<16xi1> -> vector<16xf32>
    %eq3A_604 = arith.constant 15 : i32
    %eq3A_605 = vector.broadcast %eq3A_604 : i32 to vector<16xi32>
    %eq3A_606 = arith.cmpi eq, %iota3A, %eq3A_605 : vector<16xi32>
    %select_n3A_607 = arith.select %eq3A_606, %masked_cummax3A_603, %select_n3A_569 : vector<16xi1>, vector<16xf32>
    %get3A_608 = arith.constant 2048 : index
    %get3A_609 = tpu.vector_load %arg4[%get3A_608] {strides = array<i32>} : memref<3200xf32, #tpu.memory_space<vmem>>, vector<16xf32>,
    %get3A_610 = arith.constant 2064 : index
    %get3A_611 = tpu.vector_load %arg4[%get3A_610] {strides = array<i32>} : memref<3200xf32, #tpu.memory_space<vmem>>, vector<16xf32>,
    %max3A_612 = arith.maximumf %get3A_609, %get3A_611 : vector<16xf32>
    %get3A_613 = arith.constant 2080 : index
    %get3A_614 = tpu.vector_load %arg4[%get3A_613] {strides = array<i32>} : memref<3200xf32, #tpu.memory_space<vmem>>, vector<16xf32>,
    %max3A_615 = arith.maximumf %max3A_612, %get3A_614 : vector<16xf32>
    %get3A_616 = arith.constant 2096 : index
    %get3A_617 = tpu.vector_load %arg4[%get3A_616] {strides = array<i32>} : memref<3200xf32, #tpu.memory_space<vmem>>, vector<16xf32>,
    %max3A_618 = arith.maximumf %max3A_615, %get3A_617 : vector<16xf32>
    %get3A_619 = arith.constant 2112 : index
    %get3A_620 = tpu.vector_load %arg4[%get3A_619] {strides = array<i32>} : memref<3200xf32, #tpu.memory_space<vmem>>, vector<16xf32>,
    %max3A_621 = arith.maximumf %max3A_618, %get3A_620 : vector<16xf32>
    %get3A_622 = arith.constant 2128 : index
    %get3A_623 = tpu.vector_load %arg4[%get3A_622] {strides = array<i32>} : memref<3200xf32, #tpu.memory_space<vmem>>, vector<16xf32>,
    %max3A_624 = arith.maximumf %max3A_621, %get3A_623 : vector<16xf32>
    %get3A_625 = arith.constant 2144 : index
    %get3A_626 = tpu.vector_load %arg4[%get3A_625] {strides = array<i32>} : memref<3200xf32, #tpu.memory_space<vmem>>, vector<16xf32>,
    %max3A_627 = arith.maximumf %max3A_624, %get3A_626 : vector<16xf32>
    %get3A_628 = arith.constant 2160 : index
    %get3A_629 = tpu.vector_load %arg4[%get3A_628] {strides = array<i32>} : memref<3200xf32, #tpu.memory_space<vmem>>, vector<16xf32>,
    %max3A_630 = arith.maximumf %max3A_627, %get3A_629 : vector<16xf32>
    %broadcast_in_dim3A_631 = arith.constant true
    %broadcast_in_dim3A_632 = vector.broadcast %broadcast_in_dim3A_631 : i1 to vector<16xi1>
    %masked_cummax3A_633 = tpu.scan <max>, %max3A_630 masked %broadcast_in_dim3A_632 : vector<16xf32>, vector<16xi1> -> vector<16xf32>
    %rev3A_634 = arith.constant 15 : i32
    %rev3A_635 = vector.broadcast %rev3A_634 : i32 to vector<16xi32>
    %rev3A_636 = tpu.iota {dimensions = array<i32: 0>} : vector<16xi32>
    %rev3A_637 = arith.subi %rev3A_635, %rev3A_636 : vector<16xi32>
    %rev3A_638 = tpu.dynamic_gather %masked_cummax3A_633[%rev3A_637] in [0] : vector<16xf32>, vector<16xi32> -> vector<16xf32>
    %broadcast_in_dim3A_639 = arith.constant true
    %broadcast_in_dim3A_640 = vector.broadcast %broadcast_in_dim3A_639 : i1 to vector<16xi1>
    %masked_cummax3A_641 = tpu.scan <max>, %rev3A_638 masked %broadcast_in_dim3A_640 : vector<16xf32>, vector<16xi1> -> vector<16xf32>
    %eq3A_642 = arith.constant 0 : i32
    %eq3A_643 = vector.broadcast %eq3A_642 : i32 to vector<16xi32>
    %eq3A_644 = arith.cmpi eq, %iota3A, %eq3A_643 : vector<16xi32>
    %select_n3A_645 = arith.select %eq3A_644, %masked_cummax3A_641, %broadcast_in_dim3A_5 : vector<16xi1>, vector<16xf32>
    %get3A_646 = arith.constant 2176 : index
    %get3A_647 = tpu.vector_load %arg4[%get3A_646] {strides = array<i32>} : memref<3200xf32, #tpu.memory_space<vmem>>, vector<16xf32>,
    %get3A_648 = arith.constant 2192 : index
    %get3A_649 = tpu.vector_load %arg4[%get3A_648] {strides = array<i32>} : memref<3200xf32, #tpu.memory_space<vmem>>, vector<16xf32>,
    %max3A_650 = arith.maximumf %get3A_647, %get3A_649 : vector<16xf32>
    %get3A_651 = arith.constant 2208 : index
    %get3A_652 = tpu.vector_load %arg4[%get3A_651] {strides = array<i32>} : memref<3200xf32, #tpu.memory_space<vmem>>, vector<16xf32>,
    %max3A_653 = arith.maximumf %max3A_650, %get3A_652 : vector<16xf32>
    %get3A_654 = arith.constant 2224 : index
    %get3A_655 = tpu.vector_load %arg4[%get3A_654] {strides = array<i32>} : memref<3200xf32, #tpu.memory_space<vmem>>, vector<16xf32>,
    %max3A_656 = arith.maximumf %max3A_653, %get3A_655 : vector<16xf32>
    %get3A_657 = arith.constant 2240 : index
    %get3A_658 = tpu.vector_load %arg4[%get3A_657] {strides = array<i32>} : memref<3200xf32, #tpu.memory_space<vmem>>, vector<16xf32>,
    %max3A_659 = arith.maximumf %max3A_656, %get3A_658 : vector<16xf32>
    %get3A_660 = arith.constant 2256 : index
    %get3A_661 = tpu.vector_load %arg4[%get3A_660] {strides = array<i32>} : memref<3200xf32, #tpu.memory_space<vmem>>, vector<16xf32>,
    %max3A_662 = arith.maximumf %max3A_659, %get3A_661 : vector<16xf32>
    %get3A_663 = arith.constant 2272 : index
    %get3A_664 = tpu.vector_load %arg4[%get3A_663] {strides = array<i32>} : memref<3200xf32, #tpu.memory_space<vmem>>, vector<16xf32>,
    %max3A_665 = arith.maximumf %max3A_662, %get3A_664 : vector<16xf32>
    %get3A_666 = arith.constant 2288 : index
    %get3A_667 = tpu.vector_load %arg4[%get3A_666] {strides = array<i32>} : memref<3200xf32, #tpu.memory_space<vmem>>, vector<16xf32>,
    %max3A_668 = arith.maximumf %max3A_665, %get3A_667 : vector<16xf32>
    %broadcast_in_dim3A_669 = arith.constant true
    %broadcast_in_dim3A_670 = vector.broadcast %broadcast_in_dim3A_669 : i1 to vector<16xi1>
    %masked_cummax3A_671 = tpu.scan <max>, %max3A_668 masked %broadcast_in_dim3A_670 : vector<16xf32>, vector<16xi1> -> vector<16xf32>
    %rev3A_672 = arith.constant 15 : i32
    %rev3A_673 = vector.broadcast %rev3A_672 : i32 to vector<16xi32>
    %rev3A_674 = tpu.iota {dimensions = array<i32: 0>} : vector<16xi32>
    %rev3A_675 = arith.subi %rev3A_673, %rev3A_674 : vector<16xi32>
    %rev3A_676 = tpu.dynamic_gather %masked_cummax3A_671[%rev3A_675] in [0] : vector<16xf32>, vector<16xi32> -> vector<16xf32>
    %broadcast_in_dim3A_677 = arith.constant true
    %broadcast_in_dim3A_678 = vector.broadcast %broadcast_in_dim3A_677 : i1 to vector<16xi1>
    %masked_cummax3A_679 = tpu.scan <max>, %rev3A_676 masked %broadcast_in_dim3A_678 : vector<16xf32>, vector<16xi1> -> vector<16xf32>
    %eq3A_680 = arith.constant 1 : i32
    %eq3A_681 = vector.broadcast %eq3A_680 : i32 to vector<16xi32>
    %eq3A_682 = arith.cmpi eq, %iota3A, %eq3A_681 : vector<16xi32>
    %select_n3A_683 = arith.select %eq3A_682, %masked_cummax3A_679, %select_n3A_645 : vector<16xi1>, vector<16xf32>
    %get3A_684 = arith.constant 2304 : index
    %get3A_685 = tpu.vector_load %arg4[%get3A_684] {strides = array<i32>} : memref<3200xf32, #tpu.memory_space<vmem>>, vector<16xf32>,
    %get3A_686 = arith.constant 2320 : index
    %get3A_687 = tpu.vector_load %arg4[%get3A_686] {strides = array<i32>} : memref<3200xf32, #tpu.memory_space<vmem>>, vector<16xf32>,
    %max3A_688 = arith.maximumf %get3A_685, %get3A_687 : vector<16xf32>
    %get3A_689 = arith.constant 2336 : index
    %get3A_690 = tpu.vector_load %arg4[%get3A_689] {strides = array<i32>} : memref<3200xf32, #tpu.memory_space<vmem>>, vector<16xf32>,
    %max3A_691 = arith.maximumf %max3A_688, %get3A_690 : vector<16xf32>
    %get3A_692 = arith.constant 2352 : index
    %get3A_693 = tpu.vector_load %arg4[%get3A_692] {strides = array<i32>} : memref<3200xf32, #tpu.memory_space<vmem>>, vector<16xf32>,
    %max3A_694 = arith.maximumf %max3A_691, %get3A_693 : vector<16xf32>
    %get3A_695 = arith.constant 2368 : index
    %get3A_696 = tpu.vector_load %arg4[%get3A_695] {strides = array<i32>} : memref<3200xf32, #tpu.memory_space<vmem>>, vector<16xf32>,
    %max3A_697 = arith.maximumf %max3A_694, %get3A_696 : vector<16xf32>
    %get3A_698 = arith.constant 2384 : index
    %get3A_699 = tpu.vector_load %arg4[%get3A_698] {strides = array<i32>} : memref<3200xf32, #tpu.memory_space<vmem>>, vector<16xf32>,
    %max3A_700 = arith.maximumf %max3A_697, %get3A_699 : vector<16xf32>
    %get3A_701 = arith.constant 2400 : index
    %get3A_702 = tpu.vector_load %arg4[%get3A_701] {strides = array<i32>} : memref<3200xf32, #tpu.memory_space<vmem>>, vector<16xf32>,
    %max3A_703 = arith.maximumf %max3A_700, %get3A_702 : vector<16xf32>
    %get3A_704 = arith.constant 2416 : index
    %get3A_705 = tpu.vector_load %arg4[%get3A_704] {strides = array<i32>} : memref<3200xf32, #tpu.memory_space<vmem>>, vector<16xf32>,
    %max3A_706 = arith.maximumf %max3A_703, %get3A_705 : vector<16xf32>
    %broadcast_in_dim3A_707 = arith.constant true
    %broadcast_in_dim3A_708 = vector.broadcast %broadcast_in_dim3A_707 : i1 to vector<16xi1>
    %masked_cummax3A_709 = tpu.scan <max>, %max3A_706 masked %broadcast_in_dim3A_708 : vector<16xf32>, vector<16xi1> -> vector<16xf32>
    %rev3A_710 = arith.constant 15 : i32
    %rev3A_711 = vector.broadcast %rev3A_710 : i32 to vector<16xi32>
    %rev3A_712 = tpu.iota {dimensions = array<i32: 0>} : vector<16xi32>
    %rev3A_713 = arith.subi %rev3A_711, %rev3A_712 : vector<16xi32>
    %rev3A_714 = tpu.dynamic_gather %masked_cummax3A_709[%rev3A_713] in [0] : vector<16xf32>, vector<16xi32> -> vector<16xf32>
    %broadcast_in_dim3A_715 = arith.constant true
    %broadcast_in_dim3A_716 = vector.broadcast %broadcast_in_dim3A_715 : i1 to vector<16xi1>
    %masked_cummax3A_717 = tpu.scan <max>, %rev3A_714 masked %broadcast_in_dim3A_716 : vector<16xf32>, vector<16xi1> -> vector<16xf32>
    %eq3A_718 = arith.constant 2 : i32
    %eq3A_719 = vector.broadcast %eq3A_718 : i32 to vector<16xi32>
    %eq3A_720 = arith.cmpi eq, %iota3A, %eq3A_719 : vector<16xi32>
    %select_n3A_721 = arith.select %eq3A_720, %masked_cummax3A_717, %select_n3A_683 : vector<16xi1>, vector<16xf32>
    %get3A_722 = arith.constant 2432 : index
    %get3A_723 = tpu.vector_load %arg4[%get3A_722] {strides = array<i32>} : memref<3200xf32, #tpu.memory_space<vmem>>, vector<16xf32>,
    %get3A_724 = arith.constant 2448 : index
    %get3A_725 = tpu.vector_load %arg4[%get3A_724] {strides = array<i32>} : memref<3200xf32, #tpu.memory_space<vmem>>, vector<16xf32>,
    %max3A_726 = arith.maximumf %get3A_723, %get3A_725 : vector<16xf32>
    %get3A_727 = arith.constant 2464 : index
    %get3A_728 = tpu.vector_load %arg4[%get3A_727] {strides = array<i32>} : memref<3200xf32, #tpu.memory_space<vmem>>, vector<16xf32>,
    %max3A_729 = arith.maximumf %max3A_726, %get3A_728 : vector<16xf32>
    %get3A_730 = arith.constant 2480 : index
    %get3A_731 = tpu.vector_load %arg4[%get3A_730] {strides = array<i32>} : memref<3200xf32, #tpu.memory_space<vmem>>, vector<16xf32>,
    %max3A_732 = arith.maximumf %max3A_729, %get3A_731 : vector<16xf32>
    %get3A_733 = arith.constant 2496 : index
    %get3A_734 = tpu.vector_load %arg4[%get3A_733] {strides = array<i32>} : memref<3200xf32, #tpu.memory_space<vmem>>, vector<16xf32>,
    %max3A_735 = arith.maximumf %max3A_732, %get3A_734 : vector<16xf32>
    %get3A_736 = arith.constant 2512 : index
    %get3A_737 = tpu.vector_load %arg4[%get3A_736] {strides = array<i32>} : memref<3200xf32, #tpu.memory_space<vmem>>, vector<16xf32>,
    %max3A_738 = arith.maximumf %max3A_735, %get3A_737 : vector<16xf32>
    %get3A_739 = arith.constant 2528 : index
    %get3A_740 = tpu.vector_load %arg4[%get3A_739] {strides = array<i32>} : memref<3200xf32, #tpu.memory_space<vmem>>, vector<16xf32>,
    %max3A_741 = arith.maximumf %max3A_738, %get3A_740 : vector<16xf32>
    %get3A_742 = arith.constant 2544 : index
    %get3A_743 = tpu.vector_load %arg4[%get3A_742] {strides = array<i32>} : memref<3200xf32, #tpu.memory_space<vmem>>, vector<16xf32>,
    %max3A_744 = arith.maximumf %max3A_741, %get3A_743 : vector<16xf32>
    %broadcast_in_dim3A_745 = arith.constant true
    %broadcast_in_dim3A_746 = vector.broadcast %broadcast_in_dim3A_745 : i1 to vector<16xi1>
    %masked_cummax3A_747 = tpu.scan <max>, %max3A_744 masked %broadcast_in_dim3A_746 : vector<16xf32>, vector<16xi1> -> vector<16xf32>
    %rev3A_748 = arith.constant 15 : i32
    %rev3A_749 = vector.broadcast %rev3A_748 : i32 to vector<16xi32>
    %rev3A_750 = tpu.iota {dimensions = array<i32: 0>} : vector<16xi32>
    %rev3A_751 = arith.subi %rev3A_749, %rev3A_750 : vector<16xi32>
    %rev3A_752 = tpu.dynamic_gather %masked_cummax3A_747[%rev3A_751] in [0] : vector<16xf32>, vector<16xi32> -> vector<16xf32>
    %broadcast_in_dim3A_753 = arith.constant true
    %broadcast_in_dim3A_754 = vector.broadcast %broadcast_in_dim3A_753 : i1 to vector<16xi1>
    %masked_cummax3A_755 = tpu.scan <max>, %rev3A_752 masked %broadcast_in_dim3A_754 : vector<16xf32>, vector<16xi1> -> vector<16xf32>
    %eq3A_756 = arith.constant 3 : i32
    %eq3A_757 = vector.broadcast %eq3A_756 : i32 to vector<16xi32>
    %eq3A_758 = arith.cmpi eq, %iota3A, %eq3A_757 : vector<16xi32>
    %select_n3A_759 = arith.select %eq3A_758, %masked_cummax3A_755, %select_n3A_721 : vector<16xi1>, vector<16xf32>
    %get3A_760 = arith.constant 2560 : index
    %get3A_761 = tpu.vector_load %arg4[%get3A_760] {strides = array<i32>} : memref<3200xf32, #tpu.memory_space<vmem>>, vector<16xf32>,
    %get3A_762 = arith.constant 2576 : index
    %get3A_763 = tpu.vector_load %arg4[%get3A_762] {strides = array<i32>} : memref<3200xf32, #tpu.memory_space<vmem>>, vector<16xf32>,
    %max3A_764 = arith.maximumf %get3A_761, %get3A_763 : vector<16xf32>
    %get3A_765 = arith.constant 2592 : index
    %get3A_766 = tpu.vector_load %arg4[%get3A_765] {strides = array<i32>} : memref<3200xf32, #tpu.memory_space<vmem>>, vector<16xf32>,
    %max3A_767 = arith.maximumf %max3A_764, %get3A_766 : vector<16xf32>
    %get3A_768 = arith.constant 2608 : index
    %get3A_769 = tpu.vector_load %arg4[%get3A_768] {strides = array<i32>} : memref<3200xf32, #tpu.memory_space<vmem>>, vector<16xf32>,
    %max3A_770 = arith.maximumf %max3A_767, %get3A_769 : vector<16xf32>
    %get3A_771 = arith.constant 2624 : index
    %get3A_772 = tpu.vector_load %arg4[%get3A_771] {strides = array<i32>} : memref<3200xf32, #tpu.memory_space<vmem>>, vector<16xf32>,
    %max3A_773 = arith.maximumf %max3A_770, %get3A_772 : vector<16xf32>
    %get3A_774 = arith.constant 2640 : index
    %get3A_775 = tpu.vector_load %arg4[%get3A_774] {strides = array<i32>} : memref<3200xf32, #tpu.memory_space<vmem>>, vector<16xf32>,
    %max3A_776 = arith.maximumf %max3A_773, %get3A_775 : vector<16xf32>
    %get3A_777 = arith.constant 2656 : index
    %get3A_778 = tpu.vector_load %arg4[%get3A_777] {strides = array<i32>} : memref<3200xf32, #tpu.memory_space<vmem>>, vector<16xf32>,
    %max3A_779 = arith.maximumf %max3A_776, %get3A_778 : vector<16xf32>
    %get3A_780 = arith.constant 2672 : index
    %get3A_781 = tpu.vector_load %arg4[%get3A_780] {strides = array<i32>} : memref<3200xf32, #tpu.memory_space<vmem>>, vector<16xf32>,
    %max3A_782 = arith.maximumf %max3A_779, %get3A_781 : vector<16xf32>
    %broadcast_in_dim3A_783 = arith.constant true
    %broadcast_in_dim3A_784 = vector.broadcast %broadcast_in_dim3A_783 : i1 to vector<16xi1>
    %masked_cummax3A_785 = tpu.scan <max>, %max3A_782 masked %broadcast_in_dim3A_784 : vector<16xf32>, vector<16xi1> -> vector<16xf32>
    %rev3A_786 = arith.constant 15 : i32
    %rev3A_787 = vector.broadcast %rev3A_786 : i32 to vector<16xi32>
    %rev3A_788 = tpu.iota {dimensions = array<i32: 0>} : vector<16xi32>
    %rev3A_789 = arith.subi %rev3A_787, %rev3A_788 : vector<16xi32>
    %rev3A_790 = tpu.dynamic_gather %masked_cummax3A_785[%rev3A_789] in [0] : vector<16xf32>, vector<16xi32> -> vector<16xf32>
    %broadcast_in_dim3A_791 = arith.constant true
    %broadcast_in_dim3A_792 = vector.broadcast %broadcast_in_dim3A_791 : i1 to vector<16xi1>
    %masked_cummax3A_793 = tpu.scan <max>, %rev3A_790 masked %broadcast_in_dim3A_792 : vector<16xf32>, vector<16xi1> -> vector<16xf32>
    %eq3A_794 = arith.constant 4 : i32
    %eq3A_795 = vector.broadcast %eq3A_794 : i32 to vector<16xi32>
    %eq3A_796 = arith.cmpi eq, %iota3A, %eq3A_795 : vector<16xi32>
    %select_n3A_797 = arith.select %eq3A_796, %masked_cummax3A_793, %select_n3A_759 : vector<16xi1>, vector<16xf32>
    %get3A_798 = arith.constant 2688 : index
    %get3A_799 = tpu.vector_load %arg4[%get3A_798] {strides = array<i32>} : memref<3200xf32, #tpu.memory_space<vmem>>, vector<16xf32>,
    %get3A_800 = arith.constant 2704 : index
    %get3A_801 = tpu.vector_load %arg4[%get3A_800] {strides = array<i32>} : memref<3200xf32, #tpu.memory_space<vmem>>, vector<16xf32>,
    %max3A_802 = arith.maximumf %get3A_799, %get3A_801 : vector<16xf32>
    %get3A_803 = arith.constant 2720 : index
    %get3A_804 = tpu.vector_load %arg4[%get3A_803] {strides = array<i32>} : memref<3200xf32, #tpu.memory_space<vmem>>, vector<16xf32>,
    %max3A_805 = arith.maximumf %max3A_802, %get3A_804 : vector<16xf32>
    %get3A_806 = arith.constant 2736 : index
    %get3A_807 = tpu.vector_load %arg4[%get3A_806] {strides = array<i32>} : memref<3200xf32, #tpu.memory_space<vmem>>, vector<16xf32>,
    %max3A_808 = arith.maximumf %max3A_805, %get3A_807 : vector<16xf32>
    %get3A_809 = arith.constant 2752 : index
    %get3A_810 = tpu.vector_load %arg4[%get3A_809] {strides = array<i32>} : memref<3200xf32, #tpu.memory_space<vmem>>, vector<16xf32>,
    %max3A_811 = arith.maximumf %max3A_808, %get3A_810 : vector<16xf32>
    %get3A_812 = arith.constant 2768 : index
    %get3A_813 = tpu.vector_load %arg4[%get3A_812] {strides = array<i32>} : memref<3200xf32, #tpu.memory_space<vmem>>, vector<16xf32>,
    %max3A_814 = arith.maximumf %max3A_811, %get3A_813 : vector<16xf32>
    %get3A_815 = arith.constant 2784 : index
    %get3A_816 = tpu.vector_load %arg4[%get3A_815] {strides = array<i32>} : memref<3200xf32, #tpu.memory_space<vmem>>, vector<16xf32>,
    %max3A_817 = arith.maximumf %max3A_814, %get3A_816 : vector<16xf32>
    %get3A_818 = arith.constant 2800 : index
    %get3A_819 = tpu.vector_load %arg4[%get3A_818] {strides = array<i32>} : memref<3200xf32, #tpu.memory_space<vmem>>, vector<16xf32>,
    %max3A_820 = arith.maximumf %max3A_817, %get3A_819 : vector<16xf32>
    %broadcast_in_dim3A_821 = arith.constant true
    %broadcast_in_dim3A_822 = vector.broadcast %broadcast_in_dim3A_821 : i1 to vector<16xi1>
    %masked_cummax3A_823 = tpu.scan <max>, %max3A_820 masked %broadcast_in_dim3A_822 : vector<16xf32>, vector<16xi1> -> vector<16xf32>
    %rev3A_824 = arith.constant 15 : i32
    %rev3A_825 = vector.broadcast %rev3A_824 : i32 to vector<16xi32>
    %rev3A_826 = tpu.iota {dimensions = array<i32: 0>} : vector<16xi32>
    %rev3A_827 = arith.subi %rev3A_825, %rev3A_826 : vector<16xi32>
    %rev3A_828 = tpu.dynamic_gather %masked_cummax3A_823[%rev3A_827] in [0] : vector<16xf32>, vector<16xi32> -> vector<16xf32>
    %broadcast_in_dim3A_829 = arith.constant true
    %broadcast_in_dim3A_830 = vector.broadcast %broadcast_in_dim3A_829 : i1 to vector<16xi1>
    %masked_cummax3A_831 = tpu.scan <max>, %rev3A_828 masked %broadcast_in_dim3A_830 : vector<16xf32>, vector<16xi1> -> vector<16xf32>
    %eq3A_832 = arith.constant 5 : i32
    %eq3A_833 = vector.broadcast %eq3A_832 : i32 to vector<16xi32>
    %eq3A_834 = arith.cmpi eq, %iota3A, %eq3A_833 : vector<16xi32>
    %select_n3A_835 = arith.select %eq3A_834, %masked_cummax3A_831, %select_n3A_797 : vector<16xi1>, vector<16xf32>
    %get3A_836 = arith.constant 2816 : index
    %get3A_837 = tpu.vector_load %arg4[%get3A_836] {strides = array<i32>} : memref<3200xf32, #tpu.memory_space<vmem>>, vector<16xf32>,
    %get3A_838 = arith.constant 2832 : index
    %get3A_839 = tpu.vector_load %arg4[%get3A_838] {strides = array<i32>} : memref<3200xf32, #tpu.memory_space<vmem>>, vector<16xf32>,
    %max3A_840 = arith.maximumf %get3A_837, %get3A_839 : vector<16xf32>
    %get3A_841 = arith.constant 2848 : index
    %get3A_842 = tpu.vector_load %arg4[%get3A_841] {strides = array<i32>} : memref<3200xf32, #tpu.memory_space<vmem>>, vector<16xf32>,
    %max3A_843 = arith.maximumf %max3A_840, %get3A_842 : vector<16xf32>
    %get3A_844 = arith.constant 2864 : index
    %get3A_845 = tpu.vector_load %arg4[%get3A_844] {strides = array<i32>} : memref<3200xf32, #tpu.memory_space<vmem>>, vector<16xf32>,
    %max3A_846 = arith.maximumf %max3A_843, %get3A_845 : vector<16xf32>
    %get3A_847 = arith.constant 2880 : index
    %get3A_848 = tpu.vector_load %arg4[%get3A_847] {strides = array<i32>} : memref<3200xf32, #tpu.memory_space<vmem>>, vector<16xf32>,
    %max3A_849 = arith.maximumf %max3A_846, %get3A_848 : vector<16xf32>
    %get3A_850 = arith.constant 2896 : index
    %get3A_851 = tpu.vector_load %arg4[%get3A_850] {strides = array<i32>} : memref<3200xf32, #tpu.memory_space<vmem>>, vector<16xf32>,
    %max3A_852 = arith.maximumf %max3A_849, %get3A_851 : vector<16xf32>
    %get3A_853 = arith.constant 2912 : index
    %get3A_854 = tpu.vector_load %arg4[%get3A_853] {strides = array<i32>} : memref<3200xf32, #tpu.memory_space<vmem>>, vector<16xf32>,
    %max3A_855 = arith.maximumf %max3A_852, %get3A_854 : vector<16xf32>
    %get3A_856 = arith.constant 2928 : index
    %get3A_857 = tpu.vector_load %arg4[%get3A_856] {strides = array<i32>} : memref<3200xf32, #tpu.memory_space<vmem>>, vector<16xf32>,
    %max3A_858 = arith.maximumf %max3A_855, %get3A_857 : vector<16xf32>
    %broadcast_in_dim3A_859 = arith.constant true
    %broadcast_in_dim3A_860 = vector.broadcast %broadcast_in_dim3A_859 : i1 to vector<16xi1>
    %masked_cummax3A_861 = tpu.scan <max>, %max3A_858 masked %broadcast_in_dim3A_860 : vector<16xf32>, vector<16xi1> -> vector<16xf32>
    %rev3A_862 = arith.constant 15 : i32
    %rev3A_863 = vector.broadcast %rev3A_862 : i32 to vector<16xi32>
    %rev3A_864 = tpu.iota {dimensions = array<i32: 0>} : vector<16xi32>
    %rev3A_865 = arith.subi %rev3A_863, %rev3A_864 : vector<16xi32>
    %rev3A_866 = tpu.dynamic_gather %masked_cummax3A_861[%rev3A_865] in [0] : vector<16xf32>, vector<16xi32> -> vector<16xf32>
    %broadcast_in_dim3A_867 = arith.constant true
    %broadcast_in_dim3A_868 = vector.broadcast %broadcast_in_dim3A_867 : i1 to vector<16xi1>
    %masked_cummax3A_869 = tpu.scan <max>, %rev3A_866 masked %broadcast_in_dim3A_868 : vector<16xf32>, vector<16xi1> -> vector<16xf32>
    %eq3A_870 = arith.constant 6 : i32
    %eq3A_871 = vector.broadcast %eq3A_870 : i32 to vector<16xi32>
    %eq3A_872 = arith.cmpi eq, %iota3A, %eq3A_871 : vector<16xi32>
    %select_n3A_873 = arith.select %eq3A_872, %masked_cummax3A_869, %select_n3A_835 : vector<16xi1>, vector<16xf32>
    %get3A_874 = arith.constant 2944 : index
    %get3A_875 = tpu.vector_load %arg4[%get3A_874] {strides = array<i32>} : memref<3200xf32, #tpu.memory_space<vmem>>, vector<16xf32>,
    %get3A_876 = arith.constant 2960 : index
    %get3A_877 = tpu.vector_load %arg4[%get3A_876] {strides = array<i32>} : memref<3200xf32, #tpu.memory_space<vmem>>, vector<16xf32>,
    %max3A_878 = arith.maximumf %get3A_875, %get3A_877 : vector<16xf32>
    %get3A_879 = arith.constant 2976 : index
    %get3A_880 = tpu.vector_load %arg4[%get3A_879] {strides = array<i32>} : memref<3200xf32, #tpu.memory_space<vmem>>, vector<16xf32>,
    %max3A_881 = arith.maximumf %max3A_878, %get3A_880 : vector<16xf32>
    %get3A_882 = arith.constant 2992 : index
    %get3A_883 = tpu.vector_load %arg4[%get3A_882] {strides = array<i32>} : memref<3200xf32, #tpu.memory_space<vmem>>, vector<16xf32>,
    %max3A_884 = arith.maximumf %max3A_881, %get3A_883 : vector<16xf32>
    %get3A_885 = arith.constant 3008 : index
    %get3A_886 = tpu.vector_load %arg4[%get3A_885] {strides = array<i32>} : memref<3200xf32, #tpu.memory_space<vmem>>, vector<16xf32>,
    %max3A_887 = arith.maximumf %max3A_884, %get3A_886 : vector<16xf32>
    %get3A_888 = arith.constant 3024 : index
    %get3A_889 = tpu.vector_load %arg4[%get3A_888] {strides = array<i32>} : memref<3200xf32, #tpu.memory_space<vmem>>, vector<16xf32>,
    %max3A_890 = arith.maximumf %max3A_887, %get3A_889 : vector<16xf32>
    %get3A_891 = arith.constant 3040 : index
    %get3A_892 = tpu.vector_load %arg4[%get3A_891] {strides = array<i32>} : memref<3200xf32, #tpu.memory_space<vmem>>, vector<16xf32>,
    %max3A_893 = arith.maximumf %max3A_890, %get3A_892 : vector<16xf32>
    %get3A_894 = arith.constant 3056 : index
    %get3A_895 = tpu.vector_load %arg4[%get3A_894] {strides = array<i32>} : memref<3200xf32, #tpu.memory_space<vmem>>, vector<16xf32>,
    %max3A_896 = arith.maximumf %max3A_893, %get3A_895 : vector<16xf32>
    %broadcast_in_dim3A_897 = arith.constant true
    %broadcast_in_dim3A_898 = vector.broadcast %broadcast_in_dim3A_897 : i1 to vector<16xi1>
    %masked_cummax3A_899 = tpu.scan <max>, %max3A_896 masked %broadcast_in_dim3A_898 : vector<16xf32>, vector<16xi1> -> vector<16xf32>
    %rev3A_900 = arith.constant 15 : i32
    %rev3A_901 = vector.broadcast %rev3A_900 : i32 to vector<16xi32>
    %rev3A_902 = tpu.iota {dimensions = array<i32: 0>} : vector<16xi32>
    %rev3A_903 = arith.subi %rev3A_901, %rev3A_902 : vector<16xi32>
    %rev3A_904 = tpu.dynamic_gather %masked_cummax3A_899[%rev3A_903] in [0] : vector<16xf32>, vector<16xi32> -> vector<16xf32>
    %broadcast_in_dim3A_905 = arith.constant true
    %broadcast_in_dim3A_906 = vector.broadcast %broadcast_in_dim3A_905 : i1 to vector<16xi1>
    %masked_cummax3A_907 = tpu.scan <max>, %rev3A_904 masked %broadcast_in_dim3A_906 : vector<16xf32>, vector<16xi1> -> vector<16xf32>
    %eq3A_908 = arith.constant 7 : i32
    %eq3A_909 = vector.broadcast %eq3A_908 : i32 to vector<16xi32>
    %eq3A_910 = arith.cmpi eq, %iota3A, %eq3A_909 : vector<16xi32>
    %select_n3A_911 = arith.select %eq3A_910, %masked_cummax3A_907, %select_n3A_873 : vector<16xi1>, vector<16xf32>
    %get3A_912 = arith.constant 3072 : index
    %get3A_913 = tpu.vector_load %arg4[%get3A_912] {strides = array<i32>} : memref<3200xf32, #tpu.memory_space<vmem>>, vector<16xf32>,
    %get3A_914 = arith.constant 3088 : index
    %get3A_915 = tpu.vector_load %arg4[%get3A_914] {strides = array<i32>} : memref<3200xf32, #tpu.memory_space<vmem>>, vector<16xf32>,
    %max3A_916 = arith.maximumf %get3A_913, %get3A_915 : vector<16xf32>
    %get3A_917 = arith.constant 3104 : index
    %get3A_918 = tpu.vector_load %arg4[%get3A_917] {strides = array<i32>} : memref<3200xf32, #tpu.memory_space<vmem>>, vector<16xf32>,
    %max3A_919 = arith.maximumf %max3A_916, %get3A_918 : vector<16xf32>
    %get3A_920 = arith.constant 3120 : index
    %get3A_921 = tpu.vector_load %arg4[%get3A_920] {strides = array<i32>} : memref<3200xf32, #tpu.memory_space<vmem>>, vector<16xf32>,
    %max3A_922 = arith.maximumf %max3A_919, %get3A_921 : vector<16xf32>
    %get3A_923 = arith.constant 3136 : index
    %get3A_924 = tpu.vector_load %arg4[%get3A_923] {strides = array<i32>} : memref<3200xf32, #tpu.memory_space<vmem>>, vector<16xf32>,
    %max3A_925 = arith.maximumf %max3A_922, %get3A_924 : vector<16xf32>
    %get3A_926 = arith.constant 3152 : index
    %get3A_927 = tpu.vector_load %arg4[%get3A_926] {strides = array<i32>} : memref<3200xf32, #tpu.memory_space<vmem>>, vector<16xf32>,
    %max3A_928 = arith.maximumf %max3A_925, %get3A_927 : vector<16xf32>
    %get3A_929 = arith.constant 3168 : index
    %get3A_930 = tpu.vector_load %arg4[%get3A_929] {strides = array<i32>} : memref<3200xf32, #tpu.memory_space<vmem>>, vector<16xf32>,
    %max3A_931 = arith.maximumf %max3A_928, %get3A_930 : vector<16xf32>
    %get3A_932 = arith.constant 3184 : index
    %get3A_933 = tpu.vector_load %arg4[%get3A_932] {strides = array<i32>} : memref<3200xf32, #tpu.memory_space<vmem>>, vector<16xf32>,
    %max3A_934 = arith.maximumf %max3A_931, %get3A_933 : vector<16xf32>
    %broadcast_in_dim3A_935 = arith.constant true
    %broadcast_in_dim3A_936 = vector.broadcast %broadcast_in_dim3A_935 : i1 to vector<16xi1>
    %masked_cummax3A_937 = tpu.scan <max>, %max3A_934 masked %broadcast_in_dim3A_936 : vector<16xf32>, vector<16xi1> -> vector<16xf32>
    %rev3A_938 = arith.constant 15 : i32
    %rev3A_939 = vector.broadcast %rev3A_938 : i32 to vector<16xi32>
    %rev3A_940 = tpu.iota {dimensions = array<i32: 0>} : vector<16xi32>
    %rev3A_941 = arith.subi %rev3A_939, %rev3A_940 : vector<16xi32>
    %rev3A_942 = tpu.dynamic_gather %masked_cummax3A_937[%rev3A_941] in [0] : vector<16xf32>, vector<16xi32> -> vector<16xf32>
    %broadcast_in_dim3A_943 = arith.constant true
    %broadcast_in_dim3A_944 = vector.broadcast %broadcast_in_dim3A_943 : i1 to vector<16xi1>
    %masked_cummax3A_945 = tpu.scan <max>, %rev3A_942 masked %broadcast_in_dim3A_944 : vector<16xf32>, vector<16xi1> -> vector<16xf32>
    %eq3A_946 = arith.constant 8 : i32
    %eq3A_947 = vector.broadcast %eq3A_946 : i32 to vector<16xi32>
    %eq3A_948 = arith.cmpi eq, %iota3A, %eq3A_947 : vector<16xi32>
    %select_n3A_949 = arith.select %eq3A_948, %masked_cummax3A_945, %select_n3A_911 : vector<16xi1>, vector<16xf32>
    %swap3A = arith.constant 0 : index
    %swap3A_950 = tpu.vector_load %arg5[%swap3A] {strides = array<i32>} : memref<32xf32, #tpu.memory_space<vmem>>, vector<16xf32>,
    tpu.vector_store %arg5[%swap3A], %select_n3A_607 {strides = array<i32>} : memref<32xf32, #tpu.memory_space<vmem>>, vector<16xf32>,
    %swap3A_951 = arith.constant 16 : index
    %swap3A_952 = tpu.vector_load %arg5[%swap3A_951] {strides = array<i32>} : memref<32xf32, #tpu.memory_space<vmem>>, vector<16xf32>,
    tpu.vector_store %arg5[%swap3A_951], %select_n3A_949 {strides = array<i32>} : memref<32xf32, #tpu.memory_space<vmem>>, vector<16xf32>,
    "tpu.region"() ({
      %run_scoped3A = tpu.sem_alloc : memref<!tpu.dma_semaphore, #tpu.memory_space<semaphore_mem>>
      %dma_start3A = arith.constant 0 : i32
      %dma_start3A_953 = tpu.memref_slice %arg3[%add3A, %dma_start3A] : memref<32x32xf32, #tpu.memory_space<hbm>> -> memref<1x32xf32, #tpu.memory_space<hbm>>
      %dma_start3A_954 = tpu.memref_squeeze %dma_start3A_953 : memref<1x32xf32, #tpu.memory_space<hbm>> -> memref<32xf32, #tpu.memory_space<hbm>>
      %dma_start3A_955 = arith.constant 0 : i32
      %dma_start3A_956 = tpu.memref_slice %arg3[%add3A, %dma_start3A_955] : memref<32x32xf32, #tpu.memory_space<hbm>> -> memref<1x32xf32, #tpu.memory_space<hbm>>
      %dma_start3A_957 = tpu.memref_squeeze %dma_start3A_956 : memref<1x32xf32, #tpu.memory_space<hbm>> -> memref<32xf32, #tpu.memory_space<hbm>>
      tpu.enqueue_dma source(%arg5 : memref<32xf32, #tpu.memory_space<vmem>>) target(%dma_start3A_957 : memref<32xf32, #tpu.memory_space<hbm>>) target_semaphore(%run_scoped3A : memref<!tpu.dma_semaphore, #tpu.memory_space<semaphore_mem>>)
      %dma_wait3A = arith.constant 0 : i32
      %dma_wait3A_958 = tpu.memref_slice %arg3[%add3A, %dma_wait3A] : memref<32x32xf32, #tpu.memory_space<hbm>> -> memref<1x32xf32, #tpu.memory_space<hbm>>
      %dma_wait3A_959 = tpu.memref_squeeze %dma_wait3A_958 : memref<1x32xf32, #tpu.memory_space<hbm>> -> memref<32xf32, #tpu.memory_space<hbm>>
      %dma_wait3A_960 = arith.constant 0 : i32
      %dma_wait3A_961 = tpu.memref_slice %arg3[%add3A, %dma_wait3A_960] : memref<32x32xf32, #tpu.memory_space<hbm>> -> memref<1x32xf32, #tpu.memory_space<hbm>>
      %dma_wait3A_962 = tpu.memref_squeeze %dma_wait3A_961 : memref<1x32xf32, #tpu.memory_space<hbm>> -> memref<32xf32, #tpu.memory_space<hbm>>
      tpu.wait_dma2 semaphore(%run_scoped3A : memref<!tpu.dma_semaphore, #tpu.memory_space<semaphore_mem>>) src(%arg5 : memref<32xf32, #tpu.memory_space<vmem>>) dst(%dma_wait3A_962 : memref<32xf32, #tpu.memory_space<hbm>>)
      tpu.yield
    }) : () -> ()
    return
  }
}

module attributes {stable_mosaic.version = 14 : i64} {
  func.func @_sims_kernel(%arg0: i32, %arg1: memref<4096x512xf32, #tpu.memory_space<vmem>>, %arg2: memref<1x512xf32, #tpu.memory_space<vmem>>, %arg3: memref<4096x1xf32, #tpu.memory_space<vmem>>) attributes {dimension_semantics = [#tpu.dimension_semantics<arbitrary>], iteration_bounds = array<i64: 25>, scalar_prefetch = 0 : i64, scratch_operands = 0 : i64, tpu.core_type = #tpu.core_type<tc>, window_params = [{transform_indices = @transform_0, window_bounds = array<i64: 4096, 512>}, {pipeline_mode = #tpu.pipeline_mode<synchronous>, transform_indices = @transform_1, window_bounds = array<i64: 1, 512>}, {transform_indices = @transform_2, window_bounds = array<i64: 4096, 1>}]} {
    %get3A = arith.constant 0 : index
    %get3A_0 = arith.constant 0 : index
    %get3A_1 = vector.load %arg1[%get3A, %get3A_0] : memref<4096x512xf32, #tpu.memory_space<vmem>>, vector<4096x512xf32>
    %get3A_2 = arith.constant 0 : index
    %get3A_3 = arith.constant 0 : index
    %get3A_4 = vector.load %arg2[%get3A_2, %get3A_3] : memref<1x512xf32, #tpu.memory_space<vmem>>, vector<1x512xf32>
    %dot_general3A = arith.constant dense<0.000000e+00> : vector<4096x1xf32>
    %dot_general3A_5 = tpu.matmul %get3A_1, %get3A_4, %dot_general3A {dimension_numbers = #tpu.dot_dimension_numbers<[1], [1], [0], [0], [0, 0, 1, 0], [], []>, transpose_lhs_hint = false} : vector<4096x512xf32>, vector<1x512xf32>, vector<4096x1xf32> -> vector<4096x1xf32>
    %mul3A = arith.mulf %get3A_1, %get3A_1 : vector<4096x512xf32>
    %reduce_sum3A = arith.constant dense<0.000000e+00> : vector<4096xf32>
    %reduce_sum3A_6 = vector.multi_reduction <add>, %mul3A, %reduce_sum3A [1] : vector<4096x512xf32> to vector<4096xf32>
    %broadcast_in_dim3A = vector.shape_cast %reduce_sum3A_6 : vector<4096xf32> to vector<4096x1xf32>
    %iota3A = tpu.iota {dimensions = array<i32: 0>} : vector<4096x1xi32>
    %mul3A_7 = arith.constant 4096 : i32
    %mul3A_8 = arith.muli %arg0, %mul3A_7 : i32
    %add3A = vector.broadcast %mul3A_8 : i32 to vector<4096x1xi32>
    %add3A_9 = arith.addi %iota3A, %add3A : vector<4096x1xi32>
    %lt3A = arith.constant 100000 : i32
    %lt3A_10 = vector.broadcast %lt3A : i32 to vector<4096x1xi32>
    %lt3A_11 = arith.cmpi slt, %add3A_9, %lt3A_10 : vector<4096x1xi32>
    %sqrt3A = math.sqrt %broadcast_in_dim3A : vector<4096x1xf32>
    %add3A_12 = arith.constant 9.99999993E-9 : f32
    %add3A_13 = vector.broadcast %add3A_12 : f32 to vector<4096x1xf32>
    %add3A_14 = arith.addf %sqrt3A, %add3A_13 : vector<4096x1xf32>
    %div3A = arith.divf %dot_general3A_5, %add3A_14 : vector<4096x1xf32>
    %jit3A = arith.constant -3.000000e+38 : f32
    %broadcast_in_dim3A_15 = vector.broadcast %jit3A : f32 to vector<4096x1xf32>
    %select_n3A = arith.select %lt3A_11, %div3A, %broadcast_in_dim3A_15 : vector<4096x1xi1>, vector<4096x1xf32>
    %swap3A = arith.constant 0 : index
    %swap3A_16 = arith.constant 0 : index
    %swap3A_17 = vector.load %arg3[%swap3A, %swap3A_16] : memref<4096x1xf32, #tpu.memory_space<vmem>>, vector<4096x1xf32>
    tpu.vector_store %arg3[%swap3A, %swap3A_16], %select_n3A {strides = array<i32>} : memref<4096x1xf32, #tpu.memory_space<vmem>>, vector<4096x1xf32>,
    return
  }
  func.func @transform_0(%arg0: i32) -> (i32, i32) {
    %c0_i32 = arith.constant 0 : i32
    %c0_i32_0 = arith.constant 0 : i32
    return %arg0, %c0_i32 : i32, i32
  }
  func.func @transform_1(%arg0: i32) -> (i32, i32) {
    %c0_i32 = arith.constant 0 : i32
    %c0_i32_0 = arith.constant 0 : i32
    %c0_i32_1 = arith.constant 0 : i32
    return %c0_i32, %c0_i32_0 : i32, i32
  }
  func.func @transform_2(%arg0: i32) -> (i32, i32) {
    %c0_i32 = arith.constant 0 : i32
    %c0_i32_0 = arith.constant 0 : i32
    return %arg0, %c0_i32 : i32, i32
  }
}

module attributes {stable_mosaic.version = 14 : i64} {
  func.func @_select_kernel(%arg0: memref<8x128xf32, #tpu.memory_space<vmem>>, %arg1: memref<800x128xf32, #tpu.memory_space<any>>, %arg2: memref<100000x768xf32, #tpu.memory_space<any>>, %arg3: memref<100000x512xf32, #tpu.memory_space<any>>, %arg4: memref<1x768xf32, #tpu.memory_space<vmem>>, %arg5: memref<1x512xf32, #tpu.memory_space<vmem>>, %arg6: memref<2560x256xf32, #tpu.memory_space<vmem>>, %arg7: memref<1x256xf32, #tpu.memory_space<vmem>>, %arg8: memref<256x1xf32, #tpu.memory_space<vmem>>, %arg9: memref<1x1xf32, #tpu.memory_space<vmem>>, %arg10: memref<1x1xf32, #tpu.memory_space<smem>>, %arg11: memref<1x1xi32, #tpu.memory_space<smem>>, %arg12: memref<64x128xf32, #tpu.memory_space<vmem>>, %arg13: memref<64x768xf32, #tpu.memory_space<vmem>>, %arg14: memref<64x512xf32, #tpu.memory_space<vmem>>, %arg15: memref<!tpu.dma_semaphore, #tpu.memory_space<semaphore_mem>>, %arg16: memref<!tpu.dma_semaphore, #tpu.memory_space<semaphore_mem>>, %arg17: memref<!tpu.dma_semaphore, #tpu.memory_space<semaphore_mem>>) attributes {dimension_semantics = [], scalar_prefetch = 0 : i64, scratch_operands = 6 : i64, tpu.core_type = #tpu.core_type<tc>} {
    %iota3A = tpu.iota {dimensions = array<i32: 1>} : vector<1x128xi32>
    %get3A = arith.constant 0 : index
    %get3A_0 = arith.constant 0 : index
    %get3A_1 = vector.load %arg0[%get3A, %get3A_0] : memref<8x128xf32, #tpu.memory_space<vmem>>, vector<8x128xf32>
    %bitcast_convert_type3A = tpu.bitcast %get3A_1 : vector<8x128xf32> -> vector<8x128xi32>
    %ge3A = arith.constant 0 : i32
    %ge3A_2 = vector.broadcast %ge3A : i32 to vector<8x128xi32>
    %ge3A_3 = arith.cmpi sge, %bitcast_convert_type3A, %ge3A_2 : vector<8x128xi32>
    %xor3A = arith.constant 2147483647 : i32
    %xor3A_4 = vector.broadcast %xor3A : i32 to vector<8x128xi32>
    %xor3A_5 = arith.xori %bitcast_convert_type3A, %xor3A_4 : vector<8x128xi32>
    %select_n3A = arith.select %ge3A_3, %bitcast_convert_type3A, %xor3A_5 : vector<8x128xi1>, vector<8x128xi32>
    %ge3A_6 = arith.constant 0 : i32
    %ge3A_7 = vector.broadcast %ge3A_6 : i32 to vector<8x128xi32>
    %ge3A_8 = arith.cmpi sge, %select_n3A, %ge3A_7 : vector<8x128xi32>
    %convert_element_type3A = arith.extui %ge3A_8 : vector<8x128xi1> to vector<8x128xi32>
    %reduce_sum3A = vector.shape_cast %convert_element_type3A : vector<8x128xi32> to vector<1x8x128xi32>
    %reduce_sum3A_9 = arith.constant dense<0> : vector<1xi32>
    %reduce_sum3A_10 = vector.multi_reduction <add>, %reduce_sum3A, %reduce_sum3A_9 [1, 2] : vector<1x8x128xi32> to vector<1xi32>
    %reduce_sum3A_11 = vector.shape_cast %reduce_sum3A_10 : vector<1xi32> to vector<1x1x1xi32>
    %reduce_sum3A_12 = vector.extract %reduce_sum3A_11[0, 0, 0] : i32 from vector<1x1x1xi32>
    %ge3A_13 = arith.constant 64 : i32
    %ge3A_14 = arith.cmpi sge, %reduce_sum3A_12, %ge3A_13 : i32
    %jit3A = arith.constant 0 : i32
    %jit3A_15 = arith.constant -2147483648 : i32
    %select_n3A_16 = arith.select %ge3A_14, %jit3A, %jit3A_15 : i32
    %scan3A = arith.constant 0 : i32
    %scan3A_17 = arith.constant 31 : i32
    %scan3A_18 = arith.addi %scan3A, %scan3A_17 : i32
    %scan3A_19 = arith.constant 1 : i32
    %scan3A_20 = scf.for %scan3A_186 = %scan3A to %scan3A_18 step %scan3A_19 iter_args(%scan3A_187 = %select_n3A_16) -> (i32)  : i32 {
      %sub3A = arith.constant 30 : i32
      %sub3A_188 = arith.subi %sub3A, %scan3A_186 : i32
      %shift_left3A = arith.constant 1 : i32
      %shift_left3A_189 = arith.shli %shift_left3A, %sub3A_188 : i32
      %or3A = arith.ori %scan3A_187, %shift_left3A_189 : i32
      %ge3A_190 = vector.broadcast %or3A : i32 to vector<8x128xi32>
      %ge3A_191 = arith.cmpi sge, %select_n3A, %ge3A_190 : vector<8x128xi32>
      %convert_element_type3A_192 = arith.extui %ge3A_191 : vector<8x128xi1> to vector<8x128xi32>
      %reduce_sum3A_193 = vector.shape_cast %convert_element_type3A_192 : vector<8x128xi32> to vector<1x8x128xi32>
      %reduce_sum3A_194 = arith.constant dense<0> : vector<1xi32>
      %reduce_sum3A_195 = vector.multi_reduction <add>, %reduce_sum3A_193, %reduce_sum3A_194 [1, 2] : vector<1x8x128xi32> to vector<1xi32>
      %reduce_sum3A_196 = vector.shape_cast %reduce_sum3A_195 : vector<1xi32> to vector<1x1x1xi32>
      %reduce_sum3A_197 = vector.extract %reduce_sum3A_196[0, 0, 0] : i32 from vector<1x1x1xi32>
      %ge3A_198 = arith.constant 64 : i32
      %ge3A_199 = arith.cmpi sge, %reduce_sum3A_197, %ge3A_198 : i32
      %select_n3A_200 = arith.select %ge3A_199, %or3A, %scan3A_187 : i32
      scf.yield %select_n3A_200 : i32
    }
    %scan3A_21 = arith.constant 31 : i32
    %iota3A_22 = tpu.iota {dimensions = array<i32: 0>} : vector<8x128xi32>
    %iota3A_23 = tpu.iota {dimensions = array<i32: 1>} : vector<8x128xi32>
    %mul3A = arith.constant 128 : i32
    %mul3A_24 = vector.broadcast %mul3A : i32 to vector<8x128xi32>
    %mul3A_25 = arith.muli %iota3A_22, %mul3A_24 : vector<8x128xi32>
    %add3A = arith.addi %mul3A_25, %iota3A_23 : vector<8x128xi32>
    %gt3A = vector.broadcast %scan3A_20 : i32 to vector<8x128xi32>
    %gt3A_26 = arith.cmpi sgt, %select_n3A, %gt3A : vector<8x128xi32>
    %eq3A = vector.broadcast %scan3A_20 : i32 to vector<8x128xi32>
    %eq3A_27 = arith.cmpi eq, %select_n3A, %eq3A : vector<8x128xi32>
    %add3A_28 = arith.constant 4096 : i32
    %add3A_29 = vector.broadcast %add3A_28 : i32 to vector<8x128xi32>
    %add3A_30 = arith.addi %add3A, %add3A_29 : vector<8x128xi32>
    %jit3A_31 = arith.constant 16777216 : i32
    %broadcast_in_dim3A = vector.broadcast %jit3A_31 : i32 to vector<8x128xi32>
    %select_n3A_32 = arith.select %eq3A_27, %add3A_30, %broadcast_in_dim3A : vector<8x128xi1>, vector<8x128xi32>
    %select_n3A_33 = arith.select %gt3A_26, %add3A, %select_n3A_32 : vector<8x128xi1>, vector<8x128xi32>
    %broadcast_in_dim3A_34 = arith.constant 0 : i32
    %broadcast_in_dim3A_35 = vector.broadcast %broadcast_in_dim3A_34 : i32 to vector<1x128xi32>
    %scan3A_36 = arith.constant 0 : i32
    %scan3A_37 = arith.constant 64 : i32
    %scan3A_38 = arith.addi %scan3A_36, %scan3A_37 : i32
    %scan3A_39 = arith.constant 1 : i32
    %scan3A_40:2 = scf.for %scan3A_186 = %scan3A_36 to %scan3A_38 step %scan3A_39 iter_args(%scan3A_187 = %select_n3A_33, %scan3A_188 = %broadcast_in_dim3A_35) -> (vector<8x128xi32>, vector<1x128xi32>)  : i32 {
      %reduce_min3A_189 = vector.shape_cast %scan3A_187 : vector<8x128xi32> to vector<1x8x128xi32>
      %reduce_min3A_190 = arith.constant dense<2147483647> : vector<1xi32>
      %reduce_min3A_191 = vector.multi_reduction <minsi>, %reduce_min3A_189, %reduce_min3A_190 [1, 2] : vector<1x8x128xi32> to vector<1xi32>
      %reduce_min3A_192 = vector.shape_cast %reduce_min3A_191 : vector<1xi32> to vector<1x1x1xi32>
      %reduce_min3A_193 = vector.extract %reduce_min3A_192[0, 0, 0] : i32 from vector<1x1x1xi32>
      %and3A = arith.constant 4095 : i32
      %and3A_194 = arith.andi %reduce_min3A_193, %and3A : i32
      %shift_right_arithmetic3A = arith.constant 5 : i32
      %shift_right_arithmetic3A_195 = arith.shrsi %and3A_194, %shift_right_arithmetic3A : i32
      %mul3A_196 = arith.constant 25 : i32
      %mul3A_197 = arith.muli %shift_right_arithmetic3A_195, %mul3A_196 : i32
      %and3A_198 = arith.constant 31 : i32
      %and3A_199 = arith.andi %and3A_194, %and3A_198 : i32
      %add3A_200 = arith.addi %mul3A_197, %and3A_199 : i32
      %dma_start3A = arith.constant 0 : i32
      %dma_start3A_201 = tpu.memref_slice %arg12[%scan3A_186, %dma_start3A] : memref<64x128xf32, #tpu.memory_space<vmem>> -> memref<1x128xf32, #tpu.memory_space<vmem>>
      %dma_start3A_202 = tpu.memref_squeeze %dma_start3A_201 : memref<1x128xf32, #tpu.memory_space<vmem>> -> memref<128xf32, #tpu.memory_space<vmem>>
      %dma_start3A_203 = arith.constant 0 : i32
      %dma_start3A_204 = tpu.memref_slice %arg1[%add3A_200, %dma_start3A_203] : memref<800x128xf32, #tpu.memory_space<any>> -> memref<1x128xf32, #tpu.memory_space<any>>
      %dma_start3A_205 = tpu.memref_squeeze %dma_start3A_204 : memref<1x128xf32, #tpu.memory_space<any>> -> memref<128xf32, #tpu.memory_space<any>>
      tpu.enqueue_dma source(%dma_start3A_205 : memref<128xf32, #tpu.memory_space<any>>) target(%dma_start3A_202 : memref<128xf32, #tpu.memory_space<vmem>>) target_semaphore(%arg15 : memref<!tpu.dma_semaphore, #tpu.memory_space<semaphore_mem>>)
      %eq3A_206 = vector.broadcast %scan3A_186 : i32 to vector<1x128xi32>
      %eq3A_207 = arith.cmpi eq, %iota3A, %eq3A_206 : vector<1x128xi32>
      %broadcast_in_dim3A_208 = vector.broadcast %add3A_200 : i32 to vector<1x128xi32>
      %select_n3A_209 = arith.select %eq3A_207, %broadcast_in_dim3A_208, %scan3A_188 : vector<1x128xi1>, vector<1x128xi32>
      %eq3A_210 = vector.broadcast %reduce_min3A_193 : i32 to vector<8x128xi32>
      %eq3A_211 = arith.cmpi eq, %scan3A_187, %eq3A_210 : vector<8x128xi32>
      %jit3A_212 = arith.constant 16777216 : i32
      %broadcast_in_dim3A_213 = vector.broadcast %jit3A_212 : i32 to vector<8x128xi32>
      %select_n3A_214 = arith.select %eq3A_211, %broadcast_in_dim3A_213, %scan3A_187 : vector<8x128xi1>, vector<8x128xi32>
      scf.yield %select_n3A_214, %select_n3A_209 : vector<8x128xi32>, vector<1x128xi32>
    }
    %scan3A_41 = arith.constant 64 : i32
    %transpose3A = tpu.transpose %scan3A_40#1, [1, 0] : vector<1x128xi32> -> vector<128x1xi32>
    %slice3A = vector.extract_strided_slice %transpose3A {offsets = [0, 0], sizes = [64, 1], strides = [1, 1]} : vector<128x1xi32> to vector<64x1xi32>
    %mul3A_42 = arith.constant 128 : i32
    %mul3A_43 = vector.broadcast %mul3A_42 : i32 to vector<64x1xi32>
    %mul3A_44 = arith.muli %slice3A, %mul3A_43 : vector<64x1xi32>
    %scan3A_45 = arith.constant 0 : i32
    %scan3A_46 = arith.constant 64 : i32
    %scan3A_47 = arith.addi %scan3A_45, %scan3A_46 : i32
    %scan3A_48 = arith.constant 1 : i32
    scf.for %scan3A_186 = %scan3A_45 to %scan3A_47 step %scan3A_48  : i32 {
      %dma_wait3A = arith.constant 0 : i32
      %dma_wait3A_187 = arith.constant 0 : i32
      %dma_wait3A_188 = arith.constant 0 : i32
      %dma_wait3A_189 = tpu.memref_slice %arg12[%dma_wait3A_187, %dma_wait3A_188] : memref<64x128xf32, #tpu.memory_space<vmem>> -> memref<1x128xf32, #tpu.memory_space<vmem>>
      %dma_wait3A_190 = tpu.memref_squeeze %dma_wait3A_189 : memref<1x128xf32, #tpu.memory_space<vmem>> -> memref<128xf32, #tpu.memory_space<vmem>>
      %dma_wait3A_191 = arith.constant 0 : i32
      %dma_wait3A_192 = tpu.memref_slice %arg1[%dma_wait3A, %dma_wait3A_191] : memref<800x128xf32, #tpu.memory_space<any>> -> memref<1x128xf32, #tpu.memory_space<any>>
      %dma_wait3A_193 = tpu.memref_squeeze %dma_wait3A_192 : memref<1x128xf32, #tpu.memory_space<any>> -> memref<128xf32, #tpu.memory_space<any>>
      tpu.wait_dma2 semaphore(%arg15 : memref<!tpu.dma_semaphore, #tpu.memory_space<semaphore_mem>>) src(%dma_wait3A_193 : memref<128xf32, #tpu.memory_space<any>>) dst(%dma_wait3A_190 : memref<128xf32, #tpu.memory_space<vmem>>)
    }
    %iota3A_49 = tpu.iota {dimensions = array<i32: 1>} : vector<64x128xi32>
    %add3A_50 = vector.broadcast %mul3A_44 : vector<64x1xi32> to vector<64x128xi32>
    %add3A_51 = arith.addi %add3A_50, %iota3A_49 : vector<64x128xi32>
    %get3A_52 = arith.constant 0 : index
    %get3A_53 = arith.constant 0 : index
    %get3A_54 = vector.load %arg12[%get3A_52, %get3A_53] : memref<64x128xf32, #tpu.memory_space<vmem>>, vector<64x128xf32>
    %bitcast_convert_type3A_55 = tpu.bitcast %get3A_54 : vector<64x128xf32> -> vector<64x128xi32>
    %ge3A_56 = arith.constant 0 : i32
    %ge3A_57 = vector.broadcast %ge3A_56 : i32 to vector<64x128xi32>
    %ge3A_58 = arith.cmpi sge, %bitcast_convert_type3A_55, %ge3A_57 : vector<64x128xi32>
    %xor3A_59 = arith.constant 2147483647 : i32
    %xor3A_60 = vector.broadcast %xor3A_59 : i32 to vector<64x128xi32>
    %xor3A_61 = arith.xori %bitcast_convert_type3A_55, %xor3A_60 : vector<64x128xi32>
    %select_n3A_62 = arith.select %ge3A_58, %bitcast_convert_type3A_55, %xor3A_61 : vector<64x128xi1>, vector<64x128xi32>
    %ge3A_63 = arith.constant 0 : i32
    %ge3A_64 = vector.broadcast %ge3A_63 : i32 to vector<64x128xi32>
    %ge3A_65 = arith.cmpi sge, %select_n3A_62, %ge3A_64 : vector<64x128xi32>
    %convert_element_type3A_66 = arith.extui %ge3A_65 : vector<64x128xi1> to vector<64x128xi32>
    %reduce_sum3A_67 = vector.shape_cast %convert_element_type3A_66 : vector<64x128xi32> to vector<1x64x128xi32>
    %reduce_sum3A_68 = arith.constant dense<0> : vector<1xi32>
    %reduce_sum3A_69 = vector.multi_reduction <add>, %reduce_sum3A_67, %reduce_sum3A_68 [1, 2] : vector<1x64x128xi32> to vector<1xi32>
    %reduce_sum3A_70 = vector.shape_cast %reduce_sum3A_69 : vector<1xi32> to vector<1x1x1xi32>
    %reduce_sum3A_71 = vector.extract %reduce_sum3A_70[0, 0, 0] : i32 from vector<1x1x1xi32>
    %ge3A_72 = arith.constant 64 : i32
    %ge3A_73 = arith.cmpi sge, %reduce_sum3A_71, %ge3A_72 : i32
    %jit3A_74 = arith.constant 0 : i32
    %jit3A_75 = arith.constant -2147483648 : i32
    %select_n3A_76 = arith.select %ge3A_73, %jit3A_74, %jit3A_75 : i32
    %scan3A_77 = arith.constant 0 : i32
    %scan3A_78 = arith.constant 31 : i32
    %scan3A_79 = arith.addi %scan3A_77, %scan3A_78 : i32
    %scan3A_80 = arith.constant 1 : i32
    %scan3A_81 = scf.for %scan3A_186 = %scan3A_77 to %scan3A_79 step %scan3A_80 iter_args(%scan3A_187 = %select_n3A_76) -> (i32)  : i32 {
      %sub3A = arith.constant 30 : i32
      %sub3A_188 = arith.subi %sub3A, %scan3A_186 : i32
      %shift_left3A = arith.constant 1 : i32
      %shift_left3A_189 = arith.shli %shift_left3A, %sub3A_188 : i32
      %or3A = arith.ori %scan3A_187, %shift_left3A_189 : i32
      %ge3A_190 = vector.broadcast %or3A : i32 to vector<64x128xi32>
      %ge3A_191 = arith.cmpi sge, %select_n3A_62, %ge3A_190 : vector<64x128xi32>
      %convert_element_type3A_192 = arith.extui %ge3A_191 : vector<64x128xi1> to vector<64x128xi32>
      %reduce_sum3A_193 = vector.shape_cast %convert_element_type3A_192 : vector<64x128xi32> to vector<1x64x128xi32>
      %reduce_sum3A_194 = arith.constant dense<0> : vector<1xi32>
      %reduce_sum3A_195 = vector.multi_reduction <add>, %reduce_sum3A_193, %reduce_sum3A_194 [1, 2] : vector<1x64x128xi32> to vector<1xi32>
      %reduce_sum3A_196 = vector.shape_cast %reduce_sum3A_195 : vector<1xi32> to vector<1x1x1xi32>
      %reduce_sum3A_197 = vector.extract %reduce_sum3A_196[0, 0, 0] : i32 from vector<1x1x1xi32>
      %ge3A_198 = arith.constant 64 : i32
      %ge3A_199 = arith.cmpi sge, %reduce_sum3A_197, %ge3A_198 : i32
      %select_n3A_200 = arith.select %ge3A_199, %or3A, %scan3A_187 : i32
      scf.yield %select_n3A_200 : i32
    }
    %scan3A_82 = arith.constant 31 : i32
    %gt3A_83 = vector.broadcast %scan3A_81 : i32 to vector<64x128xi32>
    %gt3A_84 = arith.cmpi sgt, %select_n3A_62, %gt3A_83 : vector<64x128xi32>
    %eq3A_85 = vector.broadcast %scan3A_81 : i32 to vector<64x128xi32>
    %eq3A_86 = arith.cmpi eq, %select_n3A_62, %eq3A_85 : vector<64x128xi32>
    %add3A_87 = arith.constant 262144 : i32
    %add3A_88 = vector.broadcast %add3A_87 : i32 to vector<64x128xi32>
    %add3A_89 = arith.addi %add3A_51, %add3A_88 : vector<64x128xi32>
    %jit3A_90 = arith.constant 16777216 : i32
    %broadcast_in_dim3A_91 = vector.broadcast %jit3A_90 : i32 to vector<64x128xi32>
    %select_n3A_92 = arith.select %eq3A_86, %add3A_89, %broadcast_in_dim3A_91 : vector<64x128xi1>, vector<64x128xi32>
    %select_n3A_93 = arith.select %gt3A_84, %add3A_51, %select_n3A_92 : vector<64x128xi1>, vector<64x128xi32>
    %broadcast_in_dim3A_94 = arith.constant 0 : i32
    %broadcast_in_dim3A_95 = vector.broadcast %broadcast_in_dim3A_94 : i32 to vector<1x128xi32>
    %scan3A_96 = arith.constant 0 : i32
    %scan3A_97 = arith.constant 64 : i32
    %scan3A_98 = arith.addi %scan3A_96, %scan3A_97 : i32
    %scan3A_99 = arith.constant 1 : i32
    %scan3A_100:2 = scf.for %scan3A_186 = %scan3A_96 to %scan3A_98 step %scan3A_99 iter_args(%scan3A_187 = %select_n3A_93, %scan3A_188 = %broadcast_in_dim3A_95) -> (vector<64x128xi32>, vector<1x128xi32>)  : i32 {
      %reduce_min3A_189 = vector.shape_cast %scan3A_187 : vector<64x128xi32> to vector<1x64x128xi32>
      %reduce_min3A_190 = arith.constant dense<2147483647> : vector<1xi32>
      %reduce_min3A_191 = vector.multi_reduction <minsi>, %reduce_min3A_189, %reduce_min3A_190 [1, 2] : vector<1x64x128xi32> to vector<1xi32>
      %reduce_min3A_192 = vector.shape_cast %reduce_min3A_191 : vector<1xi32> to vector<1x1x1xi32>
      %reduce_min3A_193 = vector.extract %reduce_min3A_192[0, 0, 0] : i32 from vector<1x1x1xi32>
      %and3A = arith.constant 262143 : i32
      %and3A_194 = arith.andi %reduce_min3A_193, %and3A : i32
      %dma_start3A = arith.constant 0 : i32
      %dma_start3A_195 = tpu.memref_slice %arg13[%scan3A_186, %dma_start3A] : memref<64x768xf32, #tpu.memory_space<vmem>> -> memref<1x768xf32, #tpu.memory_space<vmem>>
      %dma_start3A_196 = tpu.memref_squeeze %dma_start3A_195 : memref<1x768xf32, #tpu.memory_space<vmem>> -> memref<768xf32, #tpu.memory_space<vmem>>
      %dma_start3A_197 = arith.constant 0 : i32
      %dma_start3A_198 = tpu.memref_slice %arg2[%and3A_194, %dma_start3A_197] : memref<100000x768xf32, #tpu.memory_space<any>> -> memref<1x768xf32, #tpu.memory_space<any>>
      %dma_start3A_199 = tpu.memref_squeeze %dma_start3A_198 : memref<1x768xf32, #tpu.memory_space<any>> -> memref<768xf32, #tpu.memory_space<any>>
      tpu.enqueue_dma source(%dma_start3A_199 : memref<768xf32, #tpu.memory_space<any>>) target(%dma_start3A_196 : memref<768xf32, #tpu.memory_space<vmem>>) target_semaphore(%arg16 : memref<!tpu.dma_semaphore, #tpu.memory_space<semaphore_mem>>)
      %dma_start3A_200 = arith.constant 0 : i32
      %dma_start3A_201 = tpu.memref_slice %arg14[%scan3A_186, %dma_start3A_200] : memref<64x512xf32, #tpu.memory_space<vmem>> -> memref<1x512xf32, #tpu.memory_space<vmem>>
      %dma_start3A_202 = tpu.memref_squeeze %dma_start3A_201 : memref<1x512xf32, #tpu.memory_space<vmem>> -> memref<512xf32, #tpu.memory_space<vmem>>
      %dma_start3A_203 = arith.constant 0 : i32
      %dma_start3A_204 = tpu.memref_slice %arg3[%and3A_194, %dma_start3A_203] : memref<100000x512xf32, #tpu.memory_space<any>> -> memref<1x512xf32, #tpu.memory_space<any>>
      %dma_start3A_205 = tpu.memref_squeeze %dma_start3A_204 : memref<1x512xf32, #tpu.memory_space<any>> -> memref<512xf32, #tpu.memory_space<any>>
      tpu.enqueue_dma source(%dma_start3A_205 : memref<512xf32, #tpu.memory_space<any>>) target(%dma_start3A_202 : memref<512xf32, #tpu.memory_space<vmem>>) target_semaphore(%arg17 : memref<!tpu.dma_semaphore, #tpu.memory_space<semaphore_mem>>)
      %eq3A_206 = vector.broadcast %scan3A_186 : i32 to vector<1x128xi32>
      %eq3A_207 = arith.cmpi eq, %iota3A, %eq3A_206 : vector<1x128xi32>
      %broadcast_in_dim3A_208 = vector.broadcast %and3A_194 : i32 to vector<1x128xi32>
      %select_n3A_209 = arith.select %eq3A_207, %broadcast_in_dim3A_208, %scan3A_188 : vector<1x128xi1>, vector<1x128xi32>
      %eq3A_210 = vector.broadcast %reduce_min3A_193 : i32 to vector<64x128xi32>
      %eq3A_211 = arith.cmpi eq, %scan3A_187, %eq3A_210 : vector<64x128xi32>
      %jit3A_212 = arith.constant 16777216 : i32
      %broadcast_in_dim3A_213 = vector.broadcast %jit3A_212 : i32 to vector<64x128xi32>
      %select_n3A_214 = arith.select %eq3A_211, %broadcast_in_dim3A_213, %scan3A_187 : vector<64x128xi1>, vector<64x128xi32>
      scf.yield %select_n3A_214, %select_n3A_209 : vector<64x128xi32>, vector<1x128xi32>
    }
    %scan3A_101 = arith.constant 64 : i32
    %scan3A_102 = arith.constant 0 : i32
    %scan3A_103 = arith.constant 64 : i32
    %scan3A_104 = arith.addi %scan3A_102, %scan3A_103 : i32
    %scan3A_105 = arith.constant 1 : i32
    scf.for %scan3A_186 = %scan3A_102 to %scan3A_104 step %scan3A_105  : i32 {
      %dma_wait3A = arith.constant 0 : i32
      %dma_wait3A_187 = arith.constant 0 : i32
      %dma_wait3A_188 = arith.constant 0 : i32
      %dma_wait3A_189 = tpu.memref_slice %arg13[%dma_wait3A_187, %dma_wait3A_188] : memref<64x768xf32, #tpu.memory_space<vmem>> -> memref<1x768xf32, #tpu.memory_space<vmem>>
      %dma_wait3A_190 = tpu.memref_squeeze %dma_wait3A_189 : memref<1x768xf32, #tpu.memory_space<vmem>> -> memref<768xf32, #tpu.memory_space<vmem>>
      %dma_wait3A_191 = arith.constant 0 : i32
      %dma_wait3A_192 = tpu.memref_slice %arg2[%dma_wait3A, %dma_wait3A_191] : memref<100000x768xf32, #tpu.memory_space<any>> -> memref<1x768xf32, #tpu.memory_space<any>>
      %dma_wait3A_193 = tpu.memref_squeeze %dma_wait3A_192 : memref<1x768xf32, #tpu.memory_space<any>> -> memref<768xf32, #tpu.memory_space<any>>
      tpu.wait_dma2 semaphore(%arg16 : memref<!tpu.dma_semaphore, #tpu.memory_space<semaphore_mem>>) src(%dma_wait3A_193 : memref<768xf32, #tpu.memory_space<any>>) dst(%dma_wait3A_190 : memref<768xf32, #tpu.memory_space<vmem>>)
      %dma_wait3A_194 = arith.constant 0 : i32
      %dma_wait3A_195 = arith.constant 0 : i32
      %dma_wait3A_196 = arith.constant 0 : i32
      %dma_wait3A_197 = tpu.memref_slice %arg14[%dma_wait3A_195, %dma_wait3A_196] : memref<64x512xf32, #tpu.memory_space<vmem>> -> memref<1x512xf32, #tpu.memory_space<vmem>>
      %dma_wait3A_198 = tpu.memref_squeeze %dma_wait3A_197 : memref<1x512xf32, #tpu.memory_space<vmem>> -> memref<512xf32, #tpu.memory_space<vmem>>
      %dma_wait3A_199 = arith.constant 0 : i32
      %dma_wait3A_200 = tpu.memref_slice %arg3[%dma_wait3A_194, %dma_wait3A_199] : memref<100000x512xf32, #tpu.memory_space<any>> -> memref<1x512xf32, #tpu.memory_space<any>>
      %dma_wait3A_201 = tpu.memref_squeeze %dma_wait3A_200 : memref<1x512xf32, #tpu.memory_space<any>> -> memref<512xf32, #tpu.memory_space<any>>
      tpu.wait_dma2 semaphore(%arg17 : memref<!tpu.dma_semaphore, #tpu.memory_space<semaphore_mem>>) src(%dma_wait3A_201 : memref<512xf32, #tpu.memory_space<any>>) dst(%dma_wait3A_198 : memref<512xf32, #tpu.memory_space<vmem>>)
    }
    %get3A_106 = arith.constant 0 : index
    %get3A_107 = arith.constant 0 : index
    %get3A_108 = vector.load %arg13[%get3A_106, %get3A_107] : memref<64x768xf32, #tpu.memory_space<vmem>>, vector<64x768xf32>
    %get3A_109 = arith.constant 0 : index
    %get3A_110 = arith.constant 0 : index
    %get3A_111 = vector.load %arg14[%get3A_109, %get3A_110] : memref<64x512xf32, #tpu.memory_space<vmem>>, vector<64x512xf32>
    %get3A_112 = arith.constant 0 : index
    %get3A_113 = arith.constant 0 : index
    %get3A_114 = vector.load %arg6[%get3A_112, %get3A_113] : memref<2560x256xf32, #tpu.memory_space<vmem>>, vector<768x256xf32>
    %get3A_115 = arith.constant 768 : index
    %get3A_116 = arith.constant 0 : index
    %get3A_117 = vector.load %arg6[%get3A_115, %get3A_116] : memref<2560x256xf32, #tpu.memory_space<vmem>>, vector<768x256xf32>
    %get3A_118 = arith.constant 1536 : index
    %get3A_119 = arith.constant 0 : index
    %get3A_120 = vector.load %arg6[%get3A_118, %get3A_119] : memref<2560x256xf32, #tpu.memory_space<vmem>>, vector<512x256xf32>
    %get3A_121 = arith.constant 2048 : index
    %get3A_122 = arith.constant 0 : index
    %get3A_123 = vector.load %arg6[%get3A_121, %get3A_122] : memref<2560x256xf32, #tpu.memory_space<vmem>>, vector<512x256xf32>
    %get3A_124 = arith.constant 0 : index
    %get3A_125 = arith.constant 0 : index
    %get3A_126 = vector.load %arg4[%get3A_124, %get3A_125] : memref<1x768xf32, #tpu.memory_space<vmem>>, vector<1x768xf32>
    %dot_general3A = arith.constant dense<0.000000e+00> : vector<1x256xf32>
    %dot_general3A_127 = tpu.matmul %get3A_126, %get3A_117, %dot_general3A {dimension_numbers = #tpu.dot_dimension_numbers<[1], [0], [0], [1], [0, 0, 1, 1], [], []>, transpose_lhs_hint = false} : vector<1x768xf32>, vector<768x256xf32>, vector<1x256xf32> -> vector<1x256xf32>
    %get3A_128 = arith.constant 0 : index
    %get3A_129 = arith.constant 0 : index
    %get3A_130 = vector.load %arg5[%get3A_128, %get3A_129] : memref<1x512xf32, #tpu.memory_space<vmem>>, vector<1x512xf32>
    %dot_general3A_131 = arith.constant dense<0.000000e+00> : vector<1x256xf32>
    %dot_general3A_132 = tpu.matmul %get3A_130, %get3A_123, %dot_general3A_131 {dimension_numbers = #tpu.dot_dimension_numbers<[1], [0], [0], [1], [0, 0, 1, 1], [], []>, transpose_lhs_hint = false} : vector<1x512xf32>, vector<512x256xf32>, vector<1x256xf32> -> vector<1x256xf32>
    %add3A_133 = arith.addf %dot_general3A_127, %dot_general3A_132 : vector<1x256xf32>
    %get3A_134 = arith.constant 0 : index
    %get3A_135 = arith.constant 0 : index
    %get3A_136 = vector.load %arg7[%get3A_134, %get3A_135] : memref<1x256xf32, #tpu.memory_space<vmem>>, vector<1x256xf32>
    %add3A_137 = arith.addf %add3A_133, %get3A_136 : vector<1x256xf32>
    %dot_general3A_138 = arith.constant dense<0.000000e+00> : vector<64x256xf32>
    %dot_general3A_139 = tpu.matmul %get3A_108, %get3A_114, %dot_general3A_138 {dimension_numbers = #tpu.dot_dimension_numbers<[1], [0], [0], [1], [0, 0, 1, 1], [], []>, transpose_lhs_hint = false} : vector<64x768xf32>, vector<768x256xf32>, vector<64x256xf32> -> vector<64x256xf32>
    %dot_general3A_140 = arith.constant dense<0.000000e+00> : vector<64x256xf32>
    %dot_general3A_141 = tpu.matmul %get3A_111, %get3A_120, %dot_general3A_140 {dimension_numbers = #tpu.dot_dimension_numbers<[1], [0], [0], [1], [0, 0, 1, 1], [], []>, transpose_lhs_hint = false} : vector<64x512xf32>, vector<512x256xf32>, vector<64x256xf32> -> vector<64x256xf32>
    %add3A_142 = arith.addf %dot_general3A_139, %dot_general3A_141 : vector<64x256xf32>
    %add3A_143 = vector.broadcast %add3A_137 : vector<1x256xf32> to vector<64x256xf32>
    %add3A_144 = arith.addf %add3A_142, %add3A_143 : vector<64x256xf32>
    %max3A = arith.constant 0.000000e+00 : f32
    %max3A_145 = vector.broadcast %max3A : f32 to vector<64x256xf32>
    %max3A_146 = arith.maximumf %add3A_144, %max3A_145 : vector<64x256xf32>
    %get3A_147 = arith.constant 0 : index
    %get3A_148 = arith.constant 0 : index
    %get3A_149 = vector.load %arg8[%get3A_147, %get3A_148] : memref<256x1xf32, #tpu.memory_space<vmem>>, vector<256x1xf32>
    %dot_general3A_150 = arith.constant dense<0.000000e+00> : vector<64x1xf32>
    %dot_general3A_151 = tpu.matmul %max3A_146, %get3A_149, %dot_general3A_150 {dimension_numbers = #tpu.dot_dimension_numbers<[1], [0], [0], [1], [0, 0, 1, 1], [], []>, transpose_lhs_hint = false} : vector<64x256xf32>, vector<256x1xf32>, vector<64x1xf32> -> vector<64x1xf32>
    %get3A_152 = arith.constant 0 : index
    %get3A_153 = arith.constant 0 : index
    %get3A_154 = vector.load %arg9[%get3A_152, %get3A_153] : memref<1x1xf32, #tpu.memory_space<vmem>>, vector<1x1xf32>
    %add3A_155 = vector.broadcast %get3A_154 : vector<1x1xf32> to vector<64x1xf32>
    %add3A_156 = arith.addf %dot_general3A_151, %add3A_155 : vector<64x1xf32>
    %reduce_max3A = vector.shape_cast %add3A_156 : vector<64x1xf32> to vector<1x64x1xf32>
    %reduce_max3A_157 = arith.constant dense<0xFF800000> : vector<1xf32>
    %reduce_max3A_158 = vector.multi_reduction <maximumf>, %reduce_max3A, %reduce_max3A_157 [1, 2] : vector<1x64x1xf32> to vector<1xf32>
    %reduce_max3A_159 = vector.shape_cast %reduce_max3A_158 : vector<1xf32> to vector<1x1x1xf32>
    %reduce_max3A_160 = vector.extract %reduce_max3A_159[0, 0, 0] : f32 from vector<1x1x1xf32>
    %iota3A_161 = tpu.iota {dimensions = array<i32: 0>} : vector<64x1xi32>
    %ge3A_162 = vector.broadcast %reduce_max3A_160 : f32 to vector<64x1xf32>
    %ge3A_163 = arith.cmpf oge, %add3A_156, %ge3A_162 : vector<64x1xf32>
    %jit3A_164 = arith.constant 64 : i32
    %broadcast_in_dim3A_165 = vector.broadcast %jit3A_164 : i32 to vector<64x1xi32>
    %select_n3A_166 = arith.select %ge3A_163, %iota3A_161, %broadcast_in_dim3A_165 : vector<64x1xi1>, vector<64x1xi32>
    %reduce_min3A = vector.shape_cast %select_n3A_166 : vector<64x1xi32> to vector<1x64x1xi32>
    %reduce_min3A_167 = arith.constant dense<2147483647> : vector<1xi32>
    %reduce_min3A_168 = vector.multi_reduction <minsi>, %reduce_min3A, %reduce_min3A_167 [1, 2] : vector<1x64x1xi32> to vector<1xi32>
    %reduce_min3A_169 = vector.shape_cast %reduce_min3A_168 : vector<1xi32> to vector<1x1x1xi32>
    %reduce_min3A_170 = vector.extract %reduce_min3A_169[0, 0, 0] : i32 from vector<1x1x1xi32>
    %eq3A_171 = vector.broadcast %reduce_min3A_170 : i32 to vector<1x128xi32>
    %eq3A_172 = arith.cmpi eq, %iota3A, %eq3A_171 : vector<1x128xi32>
    %jit3A_173 = arith.constant -1 : i32
    %broadcast_in_dim3A_174 = vector.broadcast %jit3A_173 : i32 to vector<1x128xi32>
    %select_n3A_175 = arith.select %eq3A_172, %scan3A_100#1, %broadcast_in_dim3A_174 : vector<1x128xi1>, vector<1x128xi32>
    %reduce_max3A_176 = vector.shape_cast %select_n3A_175 : vector<1x128xi32> to vector<1x1x128xi32>
    %reduce_max3A_177 = arith.constant dense<-2147483648> : vector<1xi32>
    %reduce_max3A_178 = vector.multi_reduction <maxsi>, %reduce_max3A_176, %reduce_max3A_177 [1, 2] : vector<1x1x128xi32> to vector<1xi32>
    %reduce_max3A_179 = vector.shape_cast %reduce_max3A_178 : vector<1xi32> to vector<1x1x1xi32>
    %reduce_max3A_180 = vector.extract %reduce_max3A_179[0, 0, 0] : i32 from vector<1x1x1xi32>
    %swap3A = arith.constant 0 : index
    %swap3A_181 = arith.constant 0 : index
    %swap3A_182 = memref.load %arg10[%swap3A, %swap3A_181] : memref<1x1xf32, #tpu.memory_space<smem>>
    memref.store %reduce_max3A_160, %arg10[%swap3A, %swap3A_181] : memref<1x1xf32, #tpu.memory_space<smem>>
    %swap3A_183 = arith.constant 0 : index
    %swap3A_184 = arith.constant 0 : index
    %swap3A_185 = memref.load %arg11[%swap3A_183, %swap3A_184] : memref<1x1xi32, #tpu.memory_space<smem>>
    memref.store %reduce_max3A_180, %arg11[%swap3A_183, %swap3A_184] : memref<1x1xi32, #tpu.memory_space<smem>>
    return
  }
}

</mosaic_0001>

<sc_bundles>
// kernel: kernel.5.cloned.1.call-start
scs
__scs_entry_jumppad:
0x0: {  	(pc) =	sbr.rel $0x88, $3  }
0x1: {  	(tag) =	ssettag $0x0;
	lr =	simm.s32 $0x1  }
0x2: {  	[smem:$0x3F99] =	sst lr;
	_ =	strace $0xD0000000  }
0x3: {  	_ = 	snop  }
0x4: {  	_ = 	snop  }
0x5: {  	_ = 	snop  }
0x6: {  	_ = 	snop  }
0x7: {  	_ = 	snop  }
__scs_overlays_trampoline_lowered:
0x8: {  	[smem:$0x3FA8] =	sst s0  }
0x9: {  	[smem:$0x3FA9] =	sst s1  }
0xa: {  	[smem:$0x3FAA] =	sst s2  }
0xb: {  	[smem:$0x3FAB] =	sst s3  }
0xc: {  	[smem:$0x3FAC] =	sst s4  }
0xd: {  	[smem:$0x3FAD] =	sst s5  }
0xe: {  	[smem:$0x3FAE] =	sst s6  }
0xf: {  	[smem:$0x3FAF] =	sst s7  }
0x10: {  	[smem:$0x3FB0] =	sst s8  }
0x11: {  	[smem:$0x3FB1] =	sst s9;
	s0 =	simm.s32 @!p0 $0x0  }
0x12: {  	s1 =	sld [smem:$0x3F97];
	s0 =	simm.s32 @p0 $0x1  }
0x13: {  	[smem:$0x3FB2] =	sst s0;
	s0 =	simm.s32 @!p1 $0x0  }
0x14: {  	s2 =	sld [smem:$0x3F96];
	s0 =	simm.s32 @p1 $0x1  }
0x15: {  	[smem:$0x3FB3] =	sst s0;
	s0 =	simm.s32 @!p2 $0x0  }
0x16: {  	s3 =	sld [smem:$0x3FDB];
	s0 =	simm.s32 @p2 $0x1  }
0x17: {  	s4 =	simm.s32 $0x1BF5;
	[smem:$0x3FB5] =	sst s0  }
0x18: {  	s0 =	sld [smem:$0x3F98];
	_ =	swait.ge [sflag:s4], $0x0  }
0x19: {  	s7 =	sld [smem:$0x3F99]  }
0x1a: {  	s8 =	sadd.s32 $0xFFFFE003, lr  }
0x1b: {  	s9 =	sadd.s32 $0xFFFFFEF7, lr;
	s5 =	simm.s32 $0xFFFFFFFF;
	p2 =	slt.u32 s8, $0xFFFFF086  }
0x1c: {  	p1 =	slt.u32 s9, $0xF7A;
	s5 =	simm.s32 @!p2 $0x0  }
0x1d: {  	s5 =	simm.s32 @p1 $0x1;
	p0 =	seq.s32 s7, s2  }
0x1e: {  	s7 =	smul.u32 @!p0 $0xF7A, s2;
	p2 =	seq.s32 @!p0 s5, $0x0  }
0x1f: {  	s9 =	smul.u32 $0xF7A, s1;
	s8 =	simm.s32 @!p0 $0x1BF5;
	p2 =	por !p2, p0  }
0x20: {  	[sflag:s8] =	ssyncset.s32 @!p0 $0xFFFFF086;
	s6 =	sadd.s32 @!p0 s3, s7;
	s7 =	simm.s32 @!p0 $0x108  }
0x21: {  	s3 =	sadd.s32 s3, s9;
	s6 =	sadd.s32 @!p0 $0x88, s6;
	s7 =	simm.s32 @p2 $0x1082  }
0x22: {  	[simem:s7], [sflag:s8] =	dma.local @!p0 [hbm:s6], $0xF7A  }
0x23: {  	s9 =	sor.u32 $0xD0000000, s2;
	s6 =	simm.s32 $0x108;
	_ =	swait.ge @!p0 [sflag:s8], $0x0  }
0x24: {  	s3 =	sadd.s32 $0x88, s3;
	s6 =	simm.s32 @!p1 $0x1082;
	[sflag:s4] =	ssyncset.s32 $0xFFFFF086  }
0x25: {  	[simem:s6], [sflag:s4] =	dma.local [hbm:s3], $0xF7A  }
0x26: {  	[smem:$0x3F99] =	sst s1;
	(tag) =	ssettag s2;
	_ =	strace s9  }
0x27: {  	s1 =	sld [smem:$0x3FA9]  }
0x28: {  	s2 =	sld [smem:$0x3FAA]  }
0x29: {  	s4 =	sld [smem:$0x3FAC]  }
0x2a: {  	p0 =	seq.s32 s5, $0x0;
	s5 =	sld [smem:$0x3FAD]  }
0x2b: {  	s6 =	sld [smem:$0x3FAE]  }
0x2c: {  	s7 =	sld [smem:$0x3FAF]  }
0x2d: {  	s3 =	simm.s32 $0x108;
	s8 =	sld [smem:$0x3FB0]  }
0x2e: {  	s3 =	simm.s32 @!p0 $0x1082;
	s9 =	sld [smem:$0x3FB1]  }
0x2f: {  	lr =	sadd.s32 s0, s3;
	s0 =	sld [smem:$0x3FA8]  }
0x30: {  	s3 =	sld [smem:$0x3FAB]  }
0x31: {  	[smem:$0x3FB4] =	sst s10  }
0x32: {  	s10 =	sld [smem:$0x3FB2];
	_ =	sdelay $0x3  }
0x33: {  	p0 =	seq.s32 s10, $0x1;
	s10 =	sld [smem:$0x3FB4];
	_ =	sdelay $0x3  }
0x34: {  	[smem:$0x3FB4] =	sst s10  }
0x35: {  	s10 =	sld [smem:$0x3FB3];
	_ =	sdelay $0x3  }
0x36: {  	p1 =	seq.s32 s10, $0x1;
	s10 =	sld [smem:$0x3FB4];
	_ =	sdelay $0x3  }
0x37: {  	[smem:$0x3FB4] =	sst s10  }
0x38: {  	s10 =	sld [smem:$0x3FB5]  }
0x39: {  	_ = 	snop;
	(pc) =	sbr.ind lr, $3  }
0x3a: {  	_ = 	snop  }
0x3b: {  	_ = 	snop  }
0x3c: {  	p2 =	seq.s32 s10, $0x1;
	s10 =	sld [smem:$0x3FB4]  }
0x3d: {  	_ =	shalt  }
0x3e: {  	_ =	shalt  }
0x3f: {  	_ =	shalt  }
0x40: {  	_ =	shalt  }
0x41: {  	_ =	shalt  }
0x42: {  	_ =	shalt  }
0x43: {  	_ =	shalt  }
0x44: {  	_ =	shalt  }
0x45: {  	_ =	shalt  }
0x46: {  	_ =	shalt  }
0x47: {  	_ =	shalt  }
0x48: {  	_ =	shalt  }
0x49: {  	_ =	shalt  }
0x4a: {  	_ =	shalt  }
0x4b: {  	_ =	shalt  }
0x4c: {  	_ =	shalt  }
0x4d: {  	_ =	shalt  }
0x4e: {  	_ =	shalt  }
0x4f: {  	_ =	shalt  }
0x50: {  	_ =	shalt  }
0x51: {  	_ =	shalt  }
0x52: {  	_ =	shalt  }
0x53: {  	_ =	shalt  }
0x54: {  	_ =	shalt  }
0x55: {  	_ =	shalt  }
0x56: {  	_ =	shalt  }
0x57: {  	_ =	shalt  }
0x58: {  	_ =	shalt  }
0x59: {  	_ =	shalt  }
0x5a: {  	_ =	shalt  }
0x5b: {  	_ =	shalt  }
0x5c: {  	_ =	shalt  }
0x5d: {  	_ =	shalt  }
0x5e: {  	_ =	shalt  }
0x5f: {  	_ =	shalt  }
0x60: {  	_ =	shalt  }
0x61: {  	_ =	shalt  }
0x62: {  	_ =	shalt  }
0x63: {  	_ =	shalt  }
0x64: {  	_ =	shalt  }
0x65: {  	_ =	shalt  }
0x66: {  	_ =	shalt  }
0x67: {  	_ =	shalt  }
0x68: {  	_ =	shalt  }
0x69: {  	_ =	shalt  }
0x6a: {  	_ =	shalt  }
0x6b: {  	_ =	shalt  }
0x6c: {  	_ =	shalt  }
0x6d: {  	_ =	shalt  }
0x6e: {  	_ =	shalt  }
0x6f: {  	_ =	shalt  }
0x70: {  	_ =	shalt  }
0x71: {  	_ =	shalt  }
0x72: {  	_ =	shalt  }
0x73: {  	_ =	shalt  }
0x74: {  	_ =	shalt  }
0x75: {  	_ =	shalt  }
0x76: {  	_ =	shalt  }
0x77: {  	_ =	shalt  }
0x78: {  	_ =	shalt  }
0x79: {  	_ =	shalt  }
0x7a: {  	_ =	shalt  }
0x7b: {  	_ =	shalt  }
0x7c: {  	_ =	shalt  }
0x7d: {  	_ =	shalt  }
0x7e: {  	_ =	shalt  }
0x7f: {  	_ =	shalt  }
0x80: {  	_ =	shalt  }
0x81: {  	_ =	shalt  }
0x82: {  	_ =	shalt  }
0x83: {  	_ =	shalt  }
0x84: {  	_ =	shalt  }
0x85: {  	_ =	shalt  }
0x86: {  	_ =	shalt  }
0x87: {  	_ =	shalt  }
.Lfunc_end0:
.L_simem_size_0:
called_computation_lowered:
.L_overlay_start_0:
0x88: {  	s2 =	sld [smem:$0x3FD9]  }
0x89: {  	s3 =	sld [smem:$0x3FFE];
	_ =	sdelay $0x1  }
0x8a: {  	s1 =	srdreg.scid  }
0x8b: {  	s0 =	sand.u32 $0x1, s1  }
0x8c: {  	s16 =	sshll.u32 s0, $0xA;
	s2 =	sadd.s32 s3, s2  }
0x8d: {  	s2 =	sadd.s32 s2, s16  }
0x8e: {  	[smem:$0x3FC0] =	sst s2  }
0x8f: {  	_ = 	snop  }
0x90: {  	(tm) =	ssettm $0x1  }
0x91: {  	s17 =	sld [smem:$0x3FFB];
	_ =	sdelay $0x3  }
0x92: {  	_ =	strace s17  }
0x93: {  	s2 =	sld [smem:$0x3FFC];
	_ =	sdelay $0x3  }
0x94: {  	_ =	strace s2  }
0x95: {  	s2 =	sld [smem:$0x3FFD];
	_ =	sdelay $0x3  }
0x96: {  	_ =	strace s2  }
0x97: {  	_ =	strace $0x8FFFFFFF  }
0x98: {  	s18 =	sld [smem:$0x3FDB];
	_ =	sdelay $0x1  }
0x99: {  	s19 =	simm.s32 $_scs_section_size  }
0x9a: {  	s4 =	simm.s32 $_size__tile_overlayer_lowered;
	s5 =	simm.s32 $_tile_overlayer_lowered  }
0x9b: {  	s22 =	simm.s32 $0x1BFF;
	s21 =	sshll.u32 s5, $0x1;
	s2 =	sadd.s32 s19, s18  }
0x9c: {  	s6 =	simm.s32 $0x0;
	s20 =	sshll.u32 s4, $0x1;
	s4 =	sadd.s32 s21, s2  }
0x9d: {  	[timem:s6], [sflag:s22] =	dma.local [hbm:s4], s20  }
0x9e: {  	_ =	swait.ge [sflag:s22], s20  }
0x9f: {  	s3 =	ssub.s32 $0x0, s20;
	[sflag:s22] =	ssyncset.done $0x0  }
0xa0: {  	[sflag:s22] =	ssyncadd.s32 s3;
	_ =	sdelay $0x1  }
0xa1: {  	s23 =	simm.s32 $0x1B8B  }
0xa2: {  	_ =	swait.ge [sflag:s23], $0x1  }
0xa3: {  	[sflag:s23] =	ssyncset.done $0x0  }
0xa4: {  	s25 =	simm.s32 $0x1B8E;
	s24 =	sld [smem:$0x3FFE];
	[sflag:s23] =	ssyncadd.s32 $0xFFFFFFFF  }
0xa5: {  	s26 =	simm.s32 $execute0_lowered;
	[smem:$0x3FD2] =	sst s25  }
0xa6: {  	s4 =	sshll.u32 s26, $0x1;
	_ =	strace $0x80000046;
	[dreg:$0x1] =	wrdreg $0xFFFFFFFF  }
0xa7: {  	s28 =	simm.s32 $_size_execute0_lowered;
	s2 =	sadd.s32 s2, s4;
	[dreg:$0x0] =	wrdreg $0x0  }
0xa8: {  	s4 =	sshll.u32 s28, $0x1;
	[dreg:$0x2] =	wrdreg s2  }
0xa9: {  	[dreg:$0x3] =	wrdreg s4  }
0xaa: {  	[dreg:$0x4] =	wrdreg $0xC0  }
0xab: {  	_ =	task [dreg:s6], $0x5FFFF  }
0xac: {  	[dreg:$0x1] =	wrdreg $0xFFFFFFFF  }
0xad: {  	[dreg:$0x0] =	wrdreg $0x60  }
0xae: {  	[dreg:$0x2] =	wrdreg s24  }
0xaf: {  	[dreg:$0x3] =	wrdreg $0x9  }
0xb0: {  	_ =	task.clear_ibuf [dreg:s6], $0x4FFFF;
	_ =	strace $0x90000046  }
0xb1: {  	s29 =	simm.s32 $0x9;
	_ =	strace $0x80000048  }
0xb2: {  	_ =	swait.ge [sflag:s29], $0x1  }
0xb3: {  	[sflag:s29] =	ssyncadd.s32 $0xFFFFFFFF  }
0xb4: {  	_ =	strace $0x90000048  }
0xb5: {  	_ =	sfence  }
0xb6: {  	s30 =	sld [smem:$0x0];
	_ =	sdelay $0x2  }
0xb7: {  	s31 =	sshll.u32 s1, $0xD;
	s1 =	sshrl.u32 s1, $0x2  }
0xb8: {  	s3 =	sand.u32 $0x4000, s31;
	s1 =	sadd.s32 s1, s30  }
0xb9: {  	s0 =	sor.u32 s3, s0;
	s1 =	sshll.u32 s1, $0x11  }
0xba: {  	s0 =	sor.u32 s1, s0  }
0xbb: {  	s0 =	sadd.s32 $0x8F2B, s0  }
0xbc: {  	[sflag:s0] =	ssyncadd.remote.s32 $0x1  }
0xbd: {  	_ =	sfence.sel $0xFFFF  }
0xbe: {  	[dreg:$0x0] =	wrdreg $0xFFFFFFFF;
	(pc) =	sbr.abs _section_cstart, $3  }
0xbf: {  	[dreg:$0x1] =	wrdreg $0xFFFFFFFF  }
0xc0: {  	_ =	task.clear_ibuf [dreg:s6], $0x2FFFF;
	_ =	strace $0x9FFFFFFF  }
0xc1: {  	(tm) =	ssettm $0x7FFFFFFF  }
tec
execute0_lowered:
.L_overlay_start_1:
0x0: {  	(tag) =	ssettag $0x1  }
0x1: {  	s1 =	srdreg.scid  }
0x2: {  	s0 =	stileid.u32;
	s3 =	rddreg [dreg:$0x0];
	s2 =	simm.s32 $0x0  }
0x3: {  	v0 =	vlaneseq.u32;
	vm0 =	vmmov $0x1;
	vm1 =	vmmov $0x3;
	s4 =	sand.u32 $0x1, s1;
	s5 =	sshll.u32 s0, $0x1;
	s1 =	rddreg [dreg:$0x1]  }
0x4: {  	vm2 =	vmmov $0x7;
	vm3 =	vmmov $0xf;
	vm4 =	vmmov $0x1f;
	[smem:$0x7FF] =	sst s2;
	s5 =	sor.u32 s4, s5;
	s4 =	ssub.s32 $0x2, s4  }
0x5: {  	vm5 =	vmmov $0x3f;
	vm6 =	vmmov $0x7f;
	vm7 =	vmmov $0xff;
	s6 =	smul.u32 $0x190, s5;
	s5 =	sshll.u32 s5, $0x4;
	s31 =	sshrl.u32 s4, $0x1  }
0x6: {  	vm8 =	vmmov $0x1ff;
	vm9 =	vmmov $0x3ff;
	v0 =	vmul.u32 $0xFFFFFFFF, v0;
	_ =	strace $0x80000047;
	s5 =	sadd.s32 s5, s3;
	s7 =	ssub.s32 s4, s31  }
0x7: {  	vm10 =	vmmov $0x7ff;
	vm11 =	vmmov $0xfff;
	vm12 =	vmmov $0x1fff;
	s6 =	sadd.s32 s6, s3;
	s4 =	sadd.s32 $0x1000, s5;
	s5 =	smax.u32 s7, $0x1  }
0x8: {  	vm13 =	vmmov $0x3fff;
	vm14 =	vmmov $0x7fff;
	v0 =	vadd.s32 $0xF, v0;
	s7 =	simm.s32 $0xC80;
	s3 =	sadd.s32 $0x191000, s6;
	s6 =	simm.s32 $0x1  }
.LBB2_1:
0x9: {  	[tilespmem:s2], [sflag:$0x1] =	stream.linear.gather [hbm4b:s3+s2], $0xC80, $0x38;
	[tilespmem:$0xD00] =	vst v63  }
0xa: {  	_ =	swait.ge [sflag:s6], $0xC80  }
0xb: {  	[sflag:s6] =	ssyncset.done $0x0  }
0xc: {  	[sflag:s6] =	ssyncadd.s32 $0xFFFFF380  }
0xd: {  	v1 =	vld [tilespmem:$0x0]  }
0xe: {  	v2 =	vld [tilespmem:$0x10]  }
0xf: {  	v3 =	vld [tilespmem:$0x20]  }
0x10: {  	v4 =	vld [tilespmem:$0x30]  }
0x11: {  	v5 =	vld [tilespmem:$0x40]  }
0x12: {  	v6 =	vld [tilespmem:$0x50]  }
0x13: {  	v1 =	vmax.f32 v1, v2;
	v2 =	vld [tilespmem:$0x60]  }
0x14: {  	v1 =	vmax.f32 v1, v3;
	v3 =	vld [tilespmem:$0x70]  }
0x15: {  	v1 =	vmax.f32 v1, v4  }
0x16: {  	v1 =	vmax.f32 v1, v5  }
0x17: {  	v33 =	vld [tilespmem:$0x80];
	v1 =	vmax.f32 v1, v6  }
0x18: {  	v1 =	vmax.f32 v1, v2;
	v2 =	vld [tilespmem:$0x90]  }
0x19: {  	v1 =	vmax.f32 v1, v3;
	v3 =	vld [tilespmem:$0xA0];
	_ =	sdelay $0x1  }
0x1a: {  	(xrf0) =	vmax.scan.msk.f32 $0xffff, v1;
	v1 =	vld [tilespmem:$0xB0]  }
0x1b: {  	v34 =	vld [tilespmem:$0xC0]  }
0x1c: {  	v35 =	vld [tilespmem:$0xD0];
	v2 =	vmax.f32 v33, v2  }
0x1d: {  	v36 =	vld [tilespmem:$0xE0];
	v2 =	vmax.f32 v2, v3  }
0x1e: {  	v3 =	vld [tilespmem:$0xF0]  }
0x1f: {  	v1 =	vmax.f32 v2, v1  }
0x20: {  	v37 =	vld [tilespmem:$0x100];
	v1 =	vmax.f32 v1, v34;
	v2, _, _ =	vpop (xrf0)  }
0x21: {  	v38 =	vld [tilespmem:$0x110];
	v1 =	vmax.f32 v1, v35;
	v2 =	vperm.xlane v2, v0  }
0x22: {  	v1 =	vmax.f32 v1, v36  }
0x23: {  	v1 =	vmax.f32 v1, v3;
	(xrf0) =	vmax.scan.msk.f32 $0xffff, v2;
	v2 =	vld [tilespmem:$0x120]  }
0x24: {  	v3 =	vld [tilespmem:$0x130];
	(xrf0) =	vmax.scan.msk.f32 $0xffff, v1  }
0x25: {  	v39 =	vld [tilespmem:$0x140]  }
0x26: {  	v7 =	vld [tilespmem:$0x150];
	v1 =	vmax.f32 v37, v38  }
0x27: {  	v40 =	vld [tilespmem:$0x160]  }
0x28: {  	v41 =	vld [tilespmem:$0x170];
	v2 =	vmax.f32 v1, v2  }
0x29: {  	v1, _, _ =	vpop (xrf0);
	v2 =	vmax.f32 v2, v3  }
0x2a: {  	v42 =	vld [tilespmem:$0x180];
	v3, _, _ =	vpop (xrf0);
	v2 =	vmax.f32 v2, v39  }
0x2b: {  	v43 =	vld [tilespmem:$0x190];
	v3 =	vperm.xlane v3, v0;
	v2 =	vmax.f32 v2, v7  }
0x2c: {  	v2 =	vmax.f32 v2, v40  }
0x2d: {  	(xrf0) =	vmax.scan.msk.f32 $0xffff, v3;
	v2 =	vmax.f32 v2, v41;
	v3 =	vld [tilespmem:$0x1A0]  }
0x2e: {  	v44 =	vld [tilespmem:$0x1B0];
	(xrf0) =	vmax.scan.msk.f32 $0xffff, v2  }
0x2f: {  	v45 =	vld [tilespmem:$0x1C0]  }
0x30: {  	v8 =	vld [tilespmem:$0x1D0];
	v2 =	vmax.f32 v42, v43  }
0x31: {  	v46 =	vld [tilespmem:$0x1E0]  }
0x32: {  	v47 =	vld [tilespmem:$0x1F0];
	v3 =	vmax.f32 v2, v3  }
0x33: {  	v2, _, _ =	vpop (xrf0);
	v3 =	vmax.f32 v3, v44  }
0x34: {  	v49 =	vld [tilespmem:$0x200];
	v48, _, _ =	vpop (xrf0);
	v3 =	vmax.f32 v3, v45  }
0x35: {  	v50 =	vld [tilespmem:$0x210];
	v5 =	vperm.xlane v48, v0;
	v3 =	vmax.f32 v3, v8  }
0x36: {  	v3 =	vmax.f32 v3, v46  }
0x37: {  	v51 =	vld [tilespmem:$0x220];
	(xrf0) =	vmax.scan.msk.f32 $0xffff, v5;
	v3 =	vmax.f32 v3, v47  }
0x38: {  	v52 =	vld [tilespmem:$0x230];
	(xrf0) =	vmax.scan.msk.f32 $0xffff, v3  }
0x39: {  	v53 =	vld [tilespmem:$0x240]  }
0x3a: {  	v9 =	vld [tilespmem:$0x250];
	v3 =	vmax.f32 v49, v50  }
0x3b: {  	v54 =	vld [tilespmem:$0x260]  }
0x3c: {  	v55 =	vld [tilespmem:$0x270];
	v5 =	vmax.f32 v3, v51  }
0x3d: {  	v5 =	vmax.f32 v5, v52;
	v3, _, _ =	vpop (xrf0)  }
0x3e: {  	v5 =	vmax.f32 v5, v53;
	v56, _, _ =	vpop (xrf0)  }
0x3f: {  	v57 =	vld [tilespmem:$0x280];
	v5 =	vmax.f32 v5, v9;
	v6 =	vperm.xlane v56, v0  }
0x40: {  	v58 =	vld [tilespmem:$0x290];
	v4 =	vmax.f32 v5, v54  }
0x41: {  	v59 =	vld [tilespmem:$0x2A0];
	v4 =	vmax.f32 v4, v55;
	(xrf0) =	vmax.scan.msk.f32 $0xffff, v6  }
0x42: {  	v60 =	vld [tilespmem:$0x2B0];
	(xrf0) =	vmax.scan.msk.f32 $0xffff, v4  }
0x43: {  	v61 =	vld [tilespmem:$0x2C0]  }
0x44: {  	v10 =	vld [tilespmem:$0x2D0]  }
0x45: {  	v63 =	vld [tilespmem:$0x2E0];
	v62 =	vmax.f32 v57, v58  }
0x46: {  	v12 =	vld [tilespmem:$0x2F0];
	v6 =	vmax.f32 v62, v59  }
0x47: {  	v6 =	vmax.f32 v6, v60;
	v4, _, _ =	vpop (xrf0)  }
0x48: {  	v6 =	vmax.f32 v6, v61;
	v13, _, _ =	vpop (xrf0)  }
0x49: {  	v14 =	vld [tilespmem:$0x300];
	v6 =	vmax.f32 v6, v10;
	v7 =	vperm.xlane v13, v0  }
0x4a: {  	v15 =	vld [tilespmem:$0x310];
	v5 =	vmax.f32 v6, v63  }
0x4b: {  	v16 =	vld [tilespmem:$0x320];
	v5 =	vmax.f32 v5, v12;
	(xrf0) =	vmax.scan.msk.f32 $0xffff, v7  }
0x4c: {  	v17 =	vld [tilespmem:$0x330];
	(xrf0) =	vmax.scan.msk.f32 $0xffff, v5  }
0x4d: {  	v18 =	vld [tilespmem:$0x340]  }
0x4e: {  	v11 =	vld [tilespmem:$0x350]  }
0x4f: {  	v20 =	vld [tilespmem:$0x360];
	v19 =	vmax.f32 v14, v15  }
0x50: {  	v21 =	vld [tilespmem:$0x370];
	v7 =	vmax.f32 v19, v16  }
0x51: {  	v7 =	vmax.f32 v7, v17;
	v5, _, _ =	vpop (xrf0)  }
0x52: {  	v7 =	vmax.f32 v7, v18;
	v22, _, _ =	vpop (xrf0)  }
0x53: {  	v23 =	vld [tilespmem:$0x380];
	v7 =	vmax.f32 v7, v11;
	v8 =	vperm.xlane v22, v0  }
0x54: {  	v24 =	vld [tilespmem:$0x390];
	v6 =	vmax.f32 v7, v20  }
0x55: {  	v25 =	vld [tilespmem:$0x3A0];
	v6 =	vmax.f32 v6, v21;
	(xrf0) =	vmax.scan.msk.f32 $0xffff, v8  }
0x56: {  	v26 =	vld [tilespmem:$0x3B0];
	(xrf0) =	vmax.scan.msk.f32 $0xffff, v6  }
0x57: {  	v27 =	vld [tilespmem:$0x3C0]  }
0x58: {  	v12 =	vld [tilespmem:$0x3D0]  }
0x59: {  	v29 =	vld [tilespmem:$0x3E0];
	v28 =	vmax.f32 v23, v24  }
0x5a: {  	v30 =	vld [tilespmem:$0x3F0];
	v8 =	vmax.f32 v28, v25  }
0x5b: {  	v8 =	vmax.f32 v8, v26;
	v6, _, _ =	vpop (xrf0)  }
0x5c: {  	v8 =	vmax.f32 v8, v27;
	v31, _, _ =	vpop (xrf0)  }
0x5d: {  	v32 =	vld [tilespmem:$0x400];
	v8 =	vmax.f32 v8, v12;
	v9 =	vperm.xlane v31, v0  }
0x5e: {  	v33 =	vld [tilespmem:$0x410];
	v7 =	vmax.f32 v8, v29  }
0x5f: {  	v34 =	vld [tilespmem:$0x420];
	v7 =	vmax.f32 v7, v30;
	(xrf0) =	vmax.scan.msk.f32 $0xffff, v9  }
0x60: {  	v35 =	vld [tilespmem:$0x430];
	(xrf0) =	vmax.scan.msk.f32 $0xffff, v7  }
0x61: {  	v36 =	vld [tilespmem:$0x440]  }
0x62: {  	v13 =	vld [tilespmem:$0x450]  }
0x63: {  	v37 =	vmax.f32 v32, v33;
	v38 =	vld [tilespmem:$0x460]  }
0x64: {  	v39 =	vld [tilespmem:$0x470];
	v9 =	vmax.f32 v37, v34  }
0x65: {  	v9 =	vmax.f32 v9, v35;
	v7, _, _ =	vpop (xrf0)  }
0x66: {  	v9 =	vmax.f32 v9, v36;
	v40, _, _ =	vpop (xrf0)  }
0x67: {  	v41 =	vld [tilespmem:$0x480];
	v9 =	vmax.f32 v9, v13;
	v10 =	vperm.xlane v40, v0  }
0x68: {  	v42 =	vld [tilespmem:$0x490];
	v8 =	vmax.f32 v9, v38  }
0x69: {  	v43 =	vld [tilespmem:$0x4A0];
	v8 =	vmax.f32 v8, v39;
	(xrf0) =	vmax.scan.msk.f32 $0xffff, v10  }
0x6a: {  	v44 =	vld [tilespmem:$0x4B0];
	(xrf0) =	vmax.scan.msk.f32 $0xffff, v8  }
0x6b: {  	v45 =	vld [tilespmem:$0x4C0]  }
0x6c: {  	v14 =	vld [tilespmem:$0x4D0]  }
0x6d: {  	v46 =	vmax.f32 v41, v42;
	v47 =	vld [tilespmem:$0x4E0]  }
0x6e: {  	v48 =	vld [tilespmem:$0x4F0];
	v10 =	vmax.f32 v46, v43  }
0x6f: {  	v10 =	vmax.f32 v10, v44;
	v8, _, _ =	vpop (xrf0)  }
0x70: {  	v10 =	vmax.f32 v10, v45;
	v49, _, _ =	vpop (xrf0)  }
0x71: {  	v50 =	vld [tilespmem:$0x500];
	v10 =	vmax.f32 v10, v14;
	v11 =	vperm.xlane v49, v0  }
0x72: {  	v51 =	vld [tilespmem:$0x510];
	v9 =	vmax.f32 v10, v47  }
0x73: {  	v52 =	vld [tilespmem:$0x520];
	v9 =	vmax.f32 v9, v48;
	(xrf0) =	vmax.scan.msk.f32 $0xffff, v11  }
0x74: {  	v53 =	vld [tilespmem:$0x530];
	(xrf0) =	vmax.scan.msk.f32 $0xffff, v9  }
0x75: {  	v54 =	vld [tilespmem:$0x540]  }
0x76: {  	v15 =	vld [tilespmem:$0x550]  }
0x77: {  	v55 =	vmax.f32 v50, v51;
	v56 =	vld [tilespmem:$0x560]  }
0x78: {  	v57 =	vld [tilespmem:$0x570];
	v11 =	vmax.f32 v55, v52  }
0x79: {  	v11 =	vmax.f32 v11, v53;
	v9, _, _ =	vpop (xrf0)  }
0x7a: {  	v11 =	vmax.f32 v11, v54;
	v58, _, _ =	vpop (xrf0)  }
0x7b: {  	v59 =	vld [tilespmem:$0x580];
	v11 =	vmax.f32 v11, v15;
	v12 =	vperm.xlane v58, v0  }
0x7c: {  	v60 =	vld [tilespmem:$0x590];
	v10 =	vmax.f32 v11, v56  }
0x7d: {  	v61 =	vld [tilespmem:$0x5A0];
	v10 =	vmax.f32 v10, v57;
	(xrf0) =	vmax.scan.msk.f32 $0xffff, v12  }
0x7e: {  	v62 =	vld [tilespmem:$0x5B0];
	(xrf0) =	vmax.scan.msk.f32 $0xffff, v10  }
0x7f: {  	v63 =	vld [tilespmem:$0x5C0]  }
0x80: {  	v16 =	vld [tilespmem:$0x5D0]  }
0x81: {  	v19 =	vmax.f32 v59, v60;
	v20 =	vld [tilespmem:$0x5E0]  }
0x82: {  	v21 =	vld [tilespmem:$0x5F0];
	v12 =	vmax.f32 v19, v61  }
0x83: {  	v12 =	vmax.f32 v12, v62;
	v10, _, _ =	vpop (xrf0)  }
0x84: {  	v12 =	vmax.f32 v12, v63;
	v22, _, _ =	vpop (xrf0)  }
0x85: {  	v23 =	vld [tilespmem:$0x600];
	v12 =	vmax.f32 v12, v16;
	v13 =	vperm.xlane v22, v0  }
0x86: {  	v24 =	vld [tilespmem:$0x610];
	v11 =	vmax.f32 v12, v20  }
0x87: {  	v25 =	vld [tilespmem:$0x620];
	v11 =	vmax.f32 v11, v21;
	(xrf0) =	vmax.scan.msk.f32 $0xffff, v13  }
0x88: {  	v26 =	vld [tilespmem:$0x630];
	(xrf0) =	vmax.scan.msk.f32 $0xffff, v11  }
0x89: {  	v27 =	vld [tilespmem:$0x640]  }
0x8a: {  	v17 =	vld [tilespmem:$0x650]  }
0x8b: {  	v28 =	vmax.f32 v23, v24;
	v29 =	vld [tilespmem:$0x660]  }
0x8c: {  	v30 =	vld [tilespmem:$0x670];
	v13 =	vmax.f32 v28, v25  }
0x8d: {  	v13 =	vmax.f32 v13, v26;
	v11, _, _ =	vpop (xrf0)  }
0x8e: {  	v13 =	vmax.f32 v13, v27;
	v31, _, _ =	vpop (xrf0)  }
0x8f: {  	v32 =	vld [tilespmem:$0x680];
	v13 =	vmax.f32 v13, v17;
	v14 =	vperm.xlane v31, v0  }
0x90: {  	v33 =	vld [tilespmem:$0x690];
	v12 =	vmax.f32 v13, v29  }
0x91: {  	v34 =	vld [tilespmem:$0x6A0];
	v12 =	vmax.f32 v12, v30;
	(xrf0) =	vmax.scan.msk.f32 $0xffff, v14  }
0x92: {  	v35 =	vld [tilespmem:$0x6B0];
	(xrf0) =	vmax.scan.msk.f32 $0xffff, v12  }
0x93: {  	v36 =	vld [tilespmem:$0x6C0]  }
0x94: {  	v18 =	vld [tilespmem:$0x6D0]  }
0x95: {  	v37 =	vmax.f32 v32, v33;
	v38 =	vld [tilespmem:$0x6E0]  }
0x96: {  	v39 =	vld [tilespmem:$0x6F0];
	v14 =	vmax.f32 v37, v34  }
0x97: {  	v14 =	vmax.f32 v14, v35;
	v12, _, _ =	vpop (xrf0)  }
0x98: {  	v14 =	vmax.f32 v14, v36;
	v40, _, _ =	vpop (xrf0)  }
0x99: {  	v41 =	vld [tilespmem:$0x700];
	v14 =	vmax.f32 v14, v18;
	v15 =	vperm.xlane v40, v0  }
0x9a: {  	v42 =	vld [tilespmem:$0x710];
	v13 =	vmax.f32 v14, v38  }
0x9b: {  	v43 =	vld [tilespmem:$0x720];
	v13 =	vmax.f32 v13, v39;
	(xrf0) =	vmax.scan.msk.f32 $0xffff, v15  }
0x9c: {  	v44 =	vld [tilespmem:$0x730];
	(xrf0) =	vmax.scan.msk.f32 $0xffff, v13  }
0x9d: {  	v45 =	vld [tilespmem:$0x740]  }
0x9e: {  	v19 =	vld [tilespmem:$0x750]  }
0x9f: {  	v46 =	vmax.f32 v41, v42;
	v47 =	vld [tilespmem:$0x760]  }
0xa0: {  	v48 =	vld [tilespmem:$0x770];
	v15 =	vmax.f32 v46, v43  }
0xa1: {  	v15 =	vmax.f32 v15, v44;
	v13, _, _ =	vpop (xrf0)  }
0xa2: {  	v15 =	vmax.f32 v15, v45;
	v49, _, _ =	vpop (xrf0)  }
0xa3: {  	v50 =	vld [tilespmem:$0x780];
	v15 =	vmax.f32 v15, v19;
	v16 =	vperm.xlane v49, v0  }
0xa4: {  	v51 =	vld [tilespmem:$0x790];
	v14 =	vmax.f32 v15, v47  }
0xa5: {  	v52 =	vld [tilespmem:$0x7A0];
	v14 =	vmax.f32 v14, v48;
	(xrf0) =	vmax.scan.msk.f32 $0xffff, v16  }
0xa6: {  	v53 =	vld [tilespmem:$0x7B0];
	(xrf0) =	vmax.scan.msk.f32 $0xffff, v14  }
0xa7: {  	v54 =	vld [tilespmem:$0x7C0]  }
0xa8: {  	v20 =	vld [tilespmem:$0x7D0]  }
0xa9: {  	v55 =	vmax.f32 v50, v51;
	v56 =	vld [tilespmem:$0x7E0]  }
0xaa: {  	v57 =	vld [tilespmem:$0x7F0];
	v16 =	vmax.f32 v55, v52  }
0xab: {  	v16 =	vmax.f32 v16, v53;
	v14, _, _ =	vpop (xrf0)  }
0xac: {  	v16 =	vmax.f32 v16, v54;
	v58, _, _ =	vpop (xrf0)  }
0xad: {  	v59 =	vld [tilespmem:$0x800];
	v16 =	vmax.f32 v16, v20;
	v17 =	vperm.xlane v58, v0  }
0xae: {  	v60 =	vld [tilespmem:$0x810];
	v15 =	vmax.f32 v16, v56  }
0xaf: {  	v61 =	vld [tilespmem:$0x820];
	v15 =	vmax.f32 v15, v57;
	(xrf0) =	vmax.scan.msk.f32 $0xffff, v17  }
0xb0: {  	v62 =	vld [tilespmem:$0x830];
	(xrf0) =	vmax.scan.msk.f32 $0xffff, v15  }
0xb1: {  	v63 =	vld [tilespmem:$0x840]  }
0xb2: {  	v21 =	vld [tilespmem:$0x850]  }
0xb3: {  	v24 =	vmax.f32 v59, v60;
	v25 =	vld [tilespmem:$0x860]  }
0xb4: {  	v26 =	vld [tilespmem:$0x870];
	v17 =	vmax.f32 v24, v61  }
0xb5: {  	v17 =	vmax.f32 v17, v62;
	v15, _, _ =	vpop (xrf0)  }
0xb6: {  	v17 =	vmax.f32 v17, v63;
	v27, _, _ =	vpop (xrf0)  }
0xb7: {  	v28 =	vld [tilespmem:$0x880];
	v17 =	vmax.f32 v17, v21;
	v18 =	vperm.xlane v27, v0  }
0xb8: {  	v29 =	vld [tilespmem:$0x890];
	v16 =	vmax.f32 v17, v25  }
0xb9: {  	v30 =	vld [tilespmem:$0x8A0];
	v16 =	vmax.f32 v16, v26;
	(xrf0) =	vmax.scan.msk.f32 $0xffff, v18  }
0xba: {  	v31 =	vld [tilespmem:$0x8B0];
	(xrf0) =	vmax.scan.msk.f32 $0xffff, v16  }
0xbb: {  	v32 =	vld [tilespmem:$0x8C0]  }
0xbc: {  	v22 =	vld [tilespmem:$0x8D0]  }
0xbd: {  	v33 =	vmax.f32 v28, v29;
	v34 =	vld [tilespmem:$0x8E0]  }
0xbe: {  	v35 =	vld [tilespmem:$0x8F0];
	v18 =	vmax.f32 v33, v30  }
0xbf: {  	v18 =	vmax.f32 v18, v31;
	v16, _, _ =	vpop (xrf0)  }
0xc0: {  	v18 =	vmax.f32 v18, v32;
	v36, _, _ =	vpop (xrf0)  }
0xc1: {  	v37 =	vld [tilespmem:$0x900];
	v18 =	vmax.f32 v18, v22;
	v19 =	vperm.xlane v36, v0  }
0xc2: {  	v38 =	vld [tilespmem:$0x910];
	v17 =	vmax.f32 v18, v34  }
0xc3: {  	v39 =	vld [tilespmem:$0x920];
	v17 =	vmax.f32 v17, v35;
	(xrf0) =	vmax.scan.msk.f32 $0xffff, v19  }
0xc4: {  	v40 =	vld [tilespmem:$0x930];
	(xrf0) =	vmax.scan.msk.f32 $0xffff, v17  }
0xc5: {  	v41 =	vld [tilespmem:$0x940]  }
0xc6: {  	v23 =	vld [tilespmem:$0x950]  }
0xc7: {  	v42 =	vmax.f32 v37, v38;
	v43 =	vld [tilespmem:$0x960]  }
0xc8: {  	v44 =	vld [tilespmem:$0x970];
	v19 =	vmax.f32 v42, v39  }
0xc9: {  	v19 =	vmax.f32 v19, v40;
	v17, _, _ =	vpop (xrf0)  }
0xca: {  	v19 =	vmax.f32 v19, v41;
	v45, _, _ =	vpop (xrf0)  }
0xcb: {  	v46 =	vld [tilespmem:$0x980];
	v19 =	vmax.f32 v19, v23;
	v20 =	vperm.xlane v45, v0  }
0xcc: {  	v47 =	vld [tilespmem:$0x990];
	v18 =	vmax.f32 v19, v43  }
0xcd: {  	v48 =	vld [tilespmem:$0x9A0];
	v18 =	vmax.f32 v18, v44;
	(xrf0) =	vmax.scan.msk.f32 $0xffff, v20  }
0xce: {  	v49 =	vld [tilespmem:$0x9B0];
	(xrf0) =	vmax.scan.msk.f32 $0xffff, v18  }
0xcf: {  	v50 =	vld [tilespmem:$0x9C0]  }
0xd0: {  	v51 =	vld [tilespmem:$0x9D0]  }
0xd1: {  	v52 =	vld [tilespmem:$0x9E0];
	v19 =	vmax.f32 v46, v47  }
0xd2: {  	v53 =	vld [tilespmem:$0x9F0];
	v19 =	vmax.f32 v19, v48  }
0xd3: {  	v18 =	vmax.f32 v19, v49;
	v24, _, _ =	vpop (xrf0)  }
0xd4: {  	v18 =	vmax.f32 v18, v50;
	v54, _, _ =	vpop (xrf0)  }
0xd5: {  	v55 =	vld [tilespmem:$0xA00];
	v18 =	vmax.f32 v18, v51;
	v19 =	vperm.xlane v54, v0  }
0xd6: {  	v56 =	vld [tilespmem:$0xA10];
	v18 =	vmax.f32 v18, v52  }
0xd7: {  	v57 =	vld [tilespmem:$0xA20];
	v18 =	vmax.f32 v18, v53;
	(xrf0) =	vmax.scan.msk.f32 $0xffff, v19  }
0xd8: {  	v58 =	vld [tilespmem:$0xA30];
	(xrf0) =	vmax.scan.msk.f32 $0xffff, v18  }
0xd9: {  	v59 =	vld [tilespmem:$0xA40]  }
0xda: {  	v60 =	vld [tilespmem:$0xA50]  }
0xdb: {  	v61 =	vld [tilespmem:$0xA60];
	v21 =	vmax.f32 v55, v56  }
0xdc: {  	v62 =	vld [tilespmem:$0xA70];
	v19 =	vmax.f32 v21, v57  }
0xdd: {  	v18 =	vmax.f32 v19, v58;
	v25, _, _ =	vpop (xrf0)  }
0xde: {  	v18 =	vmax.f32 v18, v59;
	v63, _, _ =	vpop (xrf0)  }
0xdf: {  	v26 =	vld [tilespmem:$0xA80];
	v18 =	vmax.f32 v18, v60;
	v19 =	vperm.xlane v63, v0  }
0xe0: {  	v27 =	vld [tilespmem:$0xA90];
	v18 =	vmax.f32 v18, v61  }
0xe1: {  	v28 =	vld [tilespmem:$0xAA0];
	v18 =	vmax.f32 v18, v62;
	(xrf0) =	vmax.scan.msk.f32 $0xffff, v19  }
0xe2: {  	v29 =	vld [tilespmem:$0xAB0];
	(xrf0) =	vmax.scan.msk.f32 $0xffff, v18  }
0xe3: {  	v30 =	vld [tilespmem:$0xAC0]  }
0xe4: {  	v31 =	vld [tilespmem:$0xAD0]  }
0xe5: {  	v32 =	vld [tilespmem:$0xAE0];
	v20 =	vmax.f32 v26, v27  }
0xe6: {  	v33 =	vld [tilespmem:$0xAF0];
	v19 =	vmax.f32 v20, v28  }
0xe7: {  	v18 =	vmax.f32 v19, v29;
	v26, _, _ =	vpop (xrf0)  }
0xe8: {  	v18 =	vmax.f32 v18, v30;
	v34, _, _ =	vpop (xrf0)  }
0xe9: {  	v35 =	vld [tilespmem:$0xB00];
	v18 =	vmax.f32 v18, v31;
	v19 =	vperm.xlane v34, v0  }
0xea: {  	v36 =	vld [tilespmem:$0xB10];
	v18 =	vmax.f32 v18, v32  }
0xeb: {  	v37 =	vld [tilespmem:$0xB20];
	v18 =	vmax.f32 v18, v33;
	(xrf0) =	vmax.scan.msk.f32 $0xffff, v19  }
0xec: {  	v38 =	vld [tilespmem:$0xB30];
	(xrf0) =	vmax.scan.msk.f32 $0xffff, v18  }
0xed: {  	v39 =	vld [tilespmem:$0xB40]  }
0xee: {  	v40 =	vld [tilespmem:$0xB50]  }
0xef: {  	v41 =	vld [tilespmem:$0xB60];
	v21 =	vmax.f32 v35, v36  }
0xf0: {  	v42 =	vld [tilespmem:$0xB70];
	v19 =	vmax.f32 v21, v37  }
0xf1: {  	v18 =	vmax.f32 v19, v38;
	v27, _, _ =	vpop (xrf0)  }
0xf2: {  	v18 =	vmax.f32 v18, v39;
	v43, _, _ =	vpop (xrf0)  }
0xf3: {  	v44 =	vld [tilespmem:$0xB80];
	v18 =	vmax.f32 v18, v40;
	v19 =	vperm.xlane v43, v0  }
0xf4: {  	v45 =	vld [tilespmem:$0xB90];
	v18 =	vmax.f32 v18, v41  }
0xf5: {  	v46 =	vld [tilespmem:$0xBA0];
	v18 =	vmax.f32 v18, v42;
	(xrf0) =	vmax.scan.msk.f32 $0xffff, v19  }
0xf6: {  	v47 =	vld [tilespmem:$0xBB0];
	(xrf0) =	vmax.scan.msk.f32 $0xffff, v18  }
0xf7: {  	v48 =	vld [tilespmem:$0xBC0]  }
0xf8: {  	v49 =	vld [tilespmem:$0xBD0]  }
0xf9: {  	v50 =	vld [tilespmem:$0xBE0];
	v20 =	vmax.f32 v44, v45  }
0xfa: {  	v51 =	vld [tilespmem:$0xBF0];
	v19 =	vmax.f32 v20, v46  }
0xfb: {  	v18 =	vmax.f32 v19, v47;
	v28, _, _ =	vpop (xrf0)  }
0xfc: {  	v18 =	vmax.f32 v18, v48;
	v52, _, _ =	vpop (xrf0)  }
0xfd: {  	v53 =	vld [tilespmem:$0xC00];
	v18 =	vmax.f32 v18, v49;
	v19 =	vperm.xlane v52, v0  }
0xfe: {  	v54 =	vld [tilespmem:$0xC10];
	v18 =	vmax.f32 v18, v50  }
0xff: {  	v55 =	vld [tilespmem:$0xC20];
	v18 =	vmax.f32 v18, v51;
	(xrf0) =	vmax.scan.msk.f32 $0xffff, v19  }
0x100: {  	v56 =	vld [tilespmem:$0xC30];
	(xrf0) =	vmax.scan.msk.f32 $0xffff, v18  }
0x101: {  	v57 =	vld [tilespmem:$0xC40]  }
0x102: {  	v58 =	vld [tilespmem:$0xC50]  }
0x103: {  	v59 =	vld [tilespmem:$0xC60];
	v21 =	vmax.f32 v53, v54  }
0x104: {  	v60 =	vld [tilespmem:$0xC70];
	v19 =	vmax.f32 v21, v55  }
0x105: {  	v18 =	vmax.f32 v19, v56;
	v61, _, _ =	vpop (xrf0)  }
0x106: {  	v18 =	vmax.f32 v18, v57;
	v62, _, _ =	vpop (xrf0)  }
0x107: {  	v18 =	vmax.f32 v18, v58;
	v20 =	vperm.xlane v62, v0  }
0x108: {  	v18 =	vmax.f32 v18, v59  }
0x109: {  	v18 =	vmax.f32 v18, v60;
	(xrf0) =	vmax.scan.msk.f32 $0xffff, v20  }
0x10a: {  	(xrf0) =	vmax.scan.msk.f32 $0xffff, v18;
	_ =	sdelay $0x1  }
0x10b: {  	v1 =	vsel vm0, v1, v2  }
0x10c: {  	v1 =	vsel vm1, v1, v3  }
0x10d: {  	v1 =	vsel vm2, v1, v4  }
0x10e: {  	v1 =	vsel vm3, v1, v5;
	v2, _, _ =	vpop (xrf0)  }
0x10f: {  	vm15 =	vcmask $0x324;
	v1 =	vsel vm4, v1, v6;
	v3, _, _ =	vpop (xrf0)  }
0x110: {  	v1 =	vsel vm5, v1, v7;
	v63 =	vnsel vm0, $0xFF61B1E6, v17;
	v3 =	vperm.xlane v3, v0  }
0x111: {  	v1 =	vsel vm6, v1, v8;
	v4 =	vsel vm15, v63, v24;
	vm15 =	vcmask $0x724  }
0x112: {  	v1 =	vsel vm7, v1, v9;
	(xrf0) =	vmax.scan.msk.f32 $0xffff, v3;
	v3 =	vsel vm15, v4, v25;
	vm15 =	vcmask $0xB24  }
0x113: {  	v1 =	vsel vm8, v1, v10;
	v3 =	vsel vm15, v3, v26;
	vm15 =	vcmask $0xF24  }
0x114: {  	v1 =	vsel vm9, v1, v11;
	v3 =	vsel vm15, v3, v27;
	vm15 =	vcmask $0x1324  }
0x115: {  	v1 =	vsel vm10, v1, v12;
	v3 =	vsel vm15, v3, v28;
	vm15 =	vcmask $0x1724  }
0x116: {  	v1 =	vsel vm11, v1, v13;
	v3 =	vsel vm15, v3, v61  }
0x117: {  	v1 =	vsel vm12, v1, v14  }
0x118: {  	v1 =	vsel vm13, v1, v15;
	vm15 =	vcmask $0x1B24  }
0x119: {  	v1 =	vsel vm14, v1, v16;
	v2 =	vsel vm15, v3, v2;
	vm15 =	vcmask $0x1F24;
	v3, _, _ =	vpop (xrf0)  }
0x11a: {  	p0 =	sne.s32 s5, $0x1;
	[tilespmem:$0xC80] =	vst v1;
	v2 =	vsel vm15, v2, v3  }
.Ltmp0:
0x11b: {  	[tilespmem:$0xC90] =	vst v2;
	(pc) =	sbr.rel @p0 .LBB2_1-.Ltmp0, $4  }
0x11c: {  	[hbm4b:s4+s2] =	stream.linear.scatter [tilespmem:s7], [sflag:$0x1], $0x80, $0x38;
	[tilespmem:$0xD00] =	vst v63  }
0x11d: {  	_ =	swait.ge [sflag:s6], $0x80  }
0x11e: {  	[sflag:s6] =	ssyncset.done $0x0  }
0x11f: {  	s5 =	sadd.s32 $0xFFFFFFFF, s5;
	[sflag:s6] =	ssyncadd.s32 $0xFFFFFF80  }
0x120: {  	_ =	sfence.sel $0x180000  }
0x121: {  	[bflag:$0x0] =	sbarrier.arrive $0xFFFF  }
0x122: {  	p0 =	sne.s32 s0, $0x0;
	_ =	strace $0x90000047  }
0x123: {  	s0 =	sadd.s32 @!p0 $0x100000, s1;
	[bflag:$0x2] =	sbarrier.arrive $0xFFFF  }
0x124: {  	[sflag:s0] =	ssyncadd.tile.s32 @!p0 $0x1;
	_ =	shalt  }
.Lfunc_end2:
_tile_overlayer_lowered:
.L_overlay_start_2:
0x125: {  	(tag) =	ssettag $0x2  }
0x126: {  	s0 =	rddreg [dreg:$0x0];
	s2 =	stileid.u32  }
0x127: {  	s1 =	rddreg [dreg:$0x1];
	p0 =	sne.s32 s2, $0x0  }
0x128: {  	s3 =	rddreg [dreg:$0x2];
	[bflag:$0x3] =	sbarrier.arrive $0xFFFF;
	s2 =	simm.s32 @!p0 $0x1C01  }
0x129: {  	[timem:s3], [sflag:s2] =	dma.local @!p0 [hbm:s0], s1  }
0x12a: {  	s0 =	simm.s32 @!p0 $0x1  }
0x12b: {  	_ =	swait.ge @!p0 [sflag:s0], s1  }
0x12c: {  	s1 =	ssub.s32 @!p0 $0x0, s1;
	[sflag:s0] =	ssyncset.done @!p0 $0x0  }
0x12d: {  	[sflag:s0] =	ssyncadd.s32 @!p0 s1  }
0x12e: {  	[bflag:$0x3] =	sbarrier.arrive $0xFFFF  }
0x12f: {  	_ =	shalt  }

</sc_bundles>
